<compile_context>
chip_gen: v7x
topology: tpu7x:2x2x1
jax: 0.10.2.dev20260603
libtpu: 0.0.44.dev20260713+nightly
codegen_flags: <defaults>
</compile_context>

<pallas_src>
import functools

import jax
import jax.numpy as jnp
from jax import lax
from jax.experimental import pallas as pl
from jax.experimental.pallas import tpu as pltpu, tpu_sc as plsc

N = 10000
E = 320000
D = 128
EDGE_DROP = 0.2
FEAT_MASK = 0.2

NP = 10240
ZR = N
BS = 512
NBR = NP // BS

NC = 2
NS = 16
CHUNK = 128
NBUF = 2
GC = 16
NGRP = 10
NCHUNK = GC * NGRP
RPG = GC // NBUF
NRND = NCHUNK // NBUF
EPT = NCHUNK * CHUNK
EPAD = EPT * NS - E
RPT = NP // NS


def _prep_edges(src, dst):
    rkey = jax.random.key(42)
    k1, k2, k3, k4 = jax.random.split(rkey, 4)
    em1 = jax.random.bernoulli(k1, 1.0 - EDGE_DROP, (E,))
    em2 = jax.random.bernoulli(k2, 1.0 - EDGE_DROP, (E,))
    fm1 = jax.random.bernoulli(k3, 1.0 - FEAT_MASK, (D,)).astype(jnp.float32)
    fm2 = jax.random.bernoulli(k4, 1.0 - FEAT_MASK, (D,)).astype(jnp.float32)

    s1 = jnp.where(em1, src, ZR)
    s2 = jnp.where(em2, src, ZR) + NP
    padi = jnp.full((EPAD,), ZR, jnp.int32)
    s1 = jnp.concatenate([s1, padi])
    s2 = jnp.concatenate([s2, padi + NP])
    dstp = jnp.concatenate([dst, jnp.zeros((EPAD,), jnp.int32)])
    src_r = jnp.stack([s1, s2]).reshape(NC, NS, NGRP, GC, CHUNK)
    dst_r = jnp.stack([dstp, dstp]).reshape(NC, NS, NGRP, GC, CHUNK)
    idx = jnp.stack([src_r, dst_r], axis=3)
    return idx, fm1, fm2


def _sc_agg(y, idx, zrows):
    mesh = plsc.VectorSubcoreMesh(core_axis_name="c", subcore_axis_name="s")

    @functools.partial(
        pl.kernel,
        out_type=jax.ShapeDtypeStruct((NC * NP, D), jnp.float32),
        mesh=mesh,
        scratch_types=[
            pltpu.VMEM((2, 2, GC, CHUNK), jnp.int32),
            pltpu.VMEM((CHUNK, D), jnp.float32),
            pltpu.VMEM((CHUNK, D), jnp.float32),
            pltpu.VMEM_SHARED((NP, D), jnp.float32),
            pltpu.SemaphoreType.DMA,
            pltpu.SemaphoreType.DMA,
            pltpu.SemaphoreType.DMA,
            pltpu.SemaphoreType.DMA,
            pltpu.SemaphoreType.DMA,
        ],
    )
    def k(y_hbm, idx_hbm, z_hbm, agg_hbm, ibuf, rows0, rows1, acc,
          gsem0, gsem1, ssem0, ssem1, isem):
        c = lax.axis_index("c")
        s = lax.axis_index("s")
        rows = [rows0, rows1]
        gsem = [gsem0, gsem1]
        ssem = [ssem0, ssem1]
        r0 = s * RPT
        pltpu.sync_copy(z_hbm.at[pl.ds(r0, RPT)], acc.at[pl.ds(r0, RPT)])
        pltpu.sync_copy(idx_hbm.at[c, s, 0], ibuf.at[0])
        plsc.subcore_barrier()
        for b in range(NBUF):
            pltpu.async_copy(y_hbm.at[ibuf.at[0, 0, b]], rows[b], gsem[b])

        def rnd(r, carry):
            g = r // RPG
            rr = lax.rem(r, RPG)
            slot = lax.rem(g, 2)
            @pl.when((rr == RPG - 1) & (g + 1 < NGRP))
            def _():
                pltpu.make_async_copy(idx_hbm.at[c, s, g + 1],
                                      ibuf.at[1 - slot], isem).wait()
            for b in range(NBUF):
                j = r * NBUF + b
                row = rr * NBUF + b
                pltpu.make_async_copy(y_hbm.at[ibuf.at[slot, 0, row]],
                                      rows[b], gsem[b]).wait()
                pltpu.async_copy(rows[b], acc.at[ibuf.at[slot, 1, row]],
                                 ssem[b], add=True)
                bp = (b - 1) % NBUF
                jn = j + NBUF - 1
                @pl.when((j >= 1) & (jn < NCHUNK))
                def _():
                    pltpu.make_async_copy(rows[bp],
                                          acc.at[ibuf.at[slot, 1, row]],
                                          ssem[bp]).wait()
                    gn = jn // GC
                    rown = jn - gn * GC
                    slotn = lax.rem(gn, 2)
                    pltpu.async_copy(y_hbm.at[ibuf.at[slotn, 0, rown]],
                                     rows[bp], gsem[bp])
            @pl.when((rr == 0) & (g + 1 < NGRP))
            def _():
                pltpu.async_copy(idx_hbm.at[c, s, g + 1], ibuf.at[1 - slot], isem)
            return carry

        lax.fori_loop(0, NRND, rnd, 0)
        for b in range(NBUF):
            pltpu.make_async_copy(rows[b], acc.at[ibuf.at[0, 1, 0]],
                                  ssem[b]).wait()
        plsc.subcore_barrier()
        pltpu.sync_copy(acc.at[pl.ds(r0, RPT)],
                        agg_hbm.at[pl.ds(c * NP + r0, RPT)])

    return k(y, idx, zrows)


def _tc_first_body(x_ref, fm_ref, w_ref, o_ref):
    o_ref[...] = jnp.dot(x_ref[...] * fm_ref[0], w_ref[...],
                         preferred_element_type=jnp.float32)


def _tc_first(x0, fms, w_rel0):
    return pl.pallas_call(
        _tc_first_body,
        grid=(2, NBR),
        in_specs=[
            pl.BlockSpec((BS, D), lambda v, i: (v * NBR + i, 0)),
            pl.BlockSpec((1, 1, D), lambda v, i: (v, 0, 0)),
            pl.BlockSpec((D, D), lambda v, i: (0, 0)),
        ],
        out_specs=pl.BlockSpec((BS, D), lambda v, i: (v * NBR + i, 0)),
        out_shape=jax.ShapeDtypeStruct((2 * NP, D), jnp.float32),
    )(x0, fms.reshape(2, 1, D), w_rel0)


def _tc_mid_body(agg_ref, x_ref, fm_ref, wroot_ref, b_ref, wnext_ref,
                 xn_ref, yn_ref):
    t = (agg_ref[...]
         + jnp.dot(x_ref[...] * fm_ref[0], wroot_ref[...],
                   preferred_element_type=jnp.float32)
         + b_ref[...])
    t = jnp.maximum(t, 0.0)
    rows = pl.program_id(1) * BS + lax.broadcasted_iota(jnp.int32, (BS, D), 0)
    t = jnp.where(rows < N, t, 0.0)
    xn_ref[...] = t
    yn_ref[...] = jnp.dot(t, wnext_ref[...], preferred_element_type=jnp.float32)


def _tc_mid(agg, x, fms, w_root, b, w_rel_next):
    return pl.pallas_call(
        _tc_mid_body,
        grid=(2, NBR),
        in_specs=[
            pl.BlockSpec((BS, D), lambda v, i: (v * NBR + i, 0)),
            pl.BlockSpec((BS, D), lambda v, i: (v * NBR + i, 0)),
            pl.BlockSpec((1, 1, D), lambda v, i: (v, 0, 0)),
            pl.BlockSpec((D, D), lambda v, i: (0, 0)),
            pl.BlockSpec((1, D), lambda v, i: (0, 0)),
            pl.BlockSpec((D, D), lambda v, i: (0, 0)),
        ],
        out_specs=[
            pl.BlockSpec((BS, D), lambda v, i: (v * NBR + i, 0)),
            pl.BlockSpec((BS, D), lambda v, i: (v * NBR + i, 0)),
        ],
        out_shape=[
            jax.ShapeDtypeStruct((2 * NP, D), jnp.float32),
            jax.ShapeDtypeStruct((2 * NP, D), jnp.float32),
        ],
    )(agg, x, fms.reshape(2, 1, D), w_root, b.reshape(1, D), w_rel_next)


def _tc_last_body(agg_ref, x_ref, wroot_ref, b_ref, wlin_ref, blin_ref, z_ref):
    t = (agg_ref[...]
         + jnp.dot(x_ref[...], wroot_ref[...], preferred_element_type=jnp.float32)
         + b_ref[...])
    t = jnp.maximum(t, 0.0)
    z_ref[...] = (jnp.dot(t, wlin_ref[...], preferred_element_type=jnp.float32)
                  + blin_ref[...])


def _tc_last(agg, x, w_root, b, w_lin, b_lin):
    return pl.pallas_call(
        _tc_last_body,
        grid=(2, NBR),
        in_specs=[
            pl.BlockSpec((BS, D), lambda v, i: (v * NBR + i, 0)),
            pl.BlockSpec((BS, D), lambda v, i: (v * NBR + i, 0)),
            pl.BlockSpec((D, D), lambda v, i: (0, 0)),
            pl.BlockSpec((1, D), lambda v, i: (0, 0)),
            pl.BlockSpec((D, D), lambda v, i: (0, 0)),
            pl.BlockSpec((1, D), lambda v, i: (0, 0)),
        ],
        out_specs=pl.BlockSpec((BS, D), lambda v, i: (v * NBR + i, 0)),
        out_shape=jax.ShapeDtypeStruct((2 * NP, D), jnp.float32),
    )(agg, x, w_root, b.reshape(1, D), w_lin, b_lin.reshape(1, D))


def kernel(x, edge_index, W_rel0, b_rel0, W_root0, W_rel1, b_rel1, W_root1,
           W_rel2, b_rel2, W_root2, W_lin, b_lin):
    src = edge_index[0]
    dst = edge_index[1]
    idx, fm1, fm2 = _prep_edges(src, dst)
    fms = jnp.stack([fm1, fm2])
    ones = jnp.ones_like(fms)
    xp = jnp.zeros((NP, D), jnp.float32).at[:N].set(x)
    x0 = jnp.concatenate([xp, xp], axis=0)
    zrows = jnp.zeros((NP, D), jnp.float32)

    y0 = _tc_first(x0, fms, W_rel0)
    a0 = _sc_agg(y0, idx, zrows)
    x1, y1 = _tc_mid(a0, x0, fms, W_root0, b_rel0, W_rel1)
    a1 = _sc_agg(y1, idx, zrows)
    x2, y2 = _tc_mid(a1, x1, ones, W_root1, b_rel1, W_rel2)
    a2 = _sc_agg(y2, idx, zrows)
    z = _tc_last(a2, x2, W_root2, b_rel2, W_lin, b_lin)
    return (z[:N], z[NP:NP + N])

# --- scband reference (transcript-rebuilt; emitter-appended) ---
"""Pipeline reference for scband-light-gcl-73512660238653 (READ-ONLY COPY).

The authoritative reference and input builder live on the scoring server;
editing this copy changes nothing except your own understanding.
"""

import jax, jax.numpy as jnp
import numpy as np

N = 10000
E = 320000
D_IN = 128
D_HID = 128
D_OUT = 128
EDGE_DROP = 0.2
FEAT_MASK = 0.2


def _glorot(key, shape):
    fan_in, fan_out = shape[0], shape[1]
    lim = float(np.sqrt(6.0 / (fan_in + fan_out)))
    return jax.random.uniform(key, shape, dtype=jnp.float32, minval=-lim, maxval=lim)


def setup_inputs(seed: int = 0) -> dict:
    key = jax.random.key(seed)
    ks = jax.random.split(key, 16)
    x = jax.random.normal(ks[0], (N, D_IN), dtype=jnp.float32)
    edge_index = jax.random.randint(ks[1], (2, E), 0, N, dtype=jnp.int32)
    dims = [(D_IN, D_HID), (D_HID, D_HID), (D_HID, D_OUT)]
    inp = {"x": x, "edge_index": edge_index}
    for l, (di, do) in enumerate(dims):
        inp[f"W_rel{l}"] = _glorot(ks[2 + 3 * l], (di, do))
        inp[f"b_rel{l}"] = jnp.zeros((do,), dtype=jnp.float32)
        inp[f"W_root{l}"] = _glorot(ks[3 + 3 * l], (di, do))
    inp["W_lin"] = _glorot(ks[12], (D_OUT, D_OUT))
    inp["b_lin"] = jnp.zeros((D_OUT,), dtype=jnp.float32)
    return inp


def _graph_conv(x, src, dst, emask, W_rel, b_rel, W_root):
    # PyG GraphConv: out = lin_rel(sum_{j in N(i)} x_j) + lin_root(x_i)
    msg = jnp.take(x, src, axis=0) * emask[:, None]
    agg = jax.ops.segment_sum(msg, dst, num_segments=N)
    return agg @ W_rel + b_rel + x @ W_root


def _encode(x, src, dst, emask, Ws_rel, bs_rel, Ws_root, W_lin, b_lin):
    for W_rel, b_rel, W_root in zip(Ws_rel, bs_rel, Ws_root):
        x = _graph_conv(x, src, dst, emask, W_rel, b_rel, W_root)
        x = jax.nn.relu(x)
        # nn.Dropout in eval mode: identity
    return x @ W_lin + b_lin


def reference(x, edge_index, W_rel0, b_rel0, W_root0, W_rel1, b_rel1, W_root1, W_rel2, b_rel2, W_root2, W_lin, b_lin):
    src = edge_index[0]
    dst = edge_index[1]
    rkey = jax.random.key(42)
    k1, k2, k3, k4 = jax.random.split(rkey, 4)
    # edge_dropout: keep each edge with prob 1 - rate (implemented as message mask)
    em1 = jax.random.bernoulli(k1, 1.0 - EDGE_DROP, (E,)).astype(jnp.float32)
    em2 = jax.random.bernoulli(k2, 1.0 - EDGE_DROP, (E,)).astype(jnp.float32)
    # feature_mask: zero out random feature columns with prob rate
    fm1 = jax.random.bernoulli(k3, 1.0 - FEAT_MASK, (D_IN,)).astype(jnp.float32)
    fm2 = jax.random.bernoulli(k4, 1.0 - FEAT_MASK, (D_IN,)).astype(jnp.float32)
    x1 = x * fm1[None, :]
    x2 = x * fm2[None, :]
    Ws_rel = [W_rel0, W_rel1, W_rel2]
    bs_rel = [b_rel0, b_rel1, b_rel2]
    Ws_root = [W_root0, W_root1, W_root2]
    z1 = _encode(x1, src, dst, em1, Ws_rel, bs_rel, Ws_root, W_lin, b_lin)
    z2 = _encode(x2, src, dst, em2, Ws_rel, bs_rel, Ws_root, W_lin, b_lin)
    return (z1, z2)

if __name__ == "__main__":
    import jax
    _d = setup_inputs()
    print(jax.jit(kernel)(*tuple(_d.values())))

</pallas_src>

<mosaic_0001>
#map = affine_map<(d0, d1) -> (0, 0)>
#map1 = affine_map<(d0, d1) -> (0, 0, 0, 0, 0, 0)>
module attributes {stable_mosaic.version = 14 : i64} {
  func.func @k(%arg0: i32, %arg1: i32, %arg2: memref<20480x128xf32, #tpu.memory_space<hbm>>, %arg3: memref<2x16x10x2x16x128xi32, #tpu.memory_space<hbm>>, %arg4: memref<10240x128xf32, #tpu.memory_space<hbm>>, %arg5: memref<20480x128xf32, #tpu.memory_space<hbm>>, %arg6: memref<2x2x16x128xi32, #tpu.memory_space<vmem>>, %arg7: memref<128x128xf32, #tpu.memory_space<vmem>>, %arg8: memref<128x128xf32, #tpu.memory_space<vmem>>, %arg9: memref<10240x128xf32, #tpu.memory_space<vmem_shared>>, %arg10: memref<!tpu.dma_semaphore, #tpu.memory_space<semaphore_mem>>, %arg11: memref<!tpu.dma_semaphore, #tpu.memory_space<semaphore_mem>>, %arg12: memref<!tpu.dma_semaphore, #tpu.memory_space<semaphore_mem>>, %arg13: memref<!tpu.dma_semaphore, #tpu.memory_space<semaphore_mem>>, %arg14: memref<!tpu.dma_semaphore, #tpu.memory_space<semaphore_mem>>) attributes {dimension_semantics = [#tpu.dimension_semantics<core_parallel>, #tpu.dimension_semantics<subcore_parallel>], iteration_bounds = array<i64: 2, 16>, scalar_prefetch = 0 : i64, scratch_operands = 9 : i64, tpu.core_type = #tpu.core_type<sc_vector_subcore>, window_params = [{transform_indices = #map}, {transform_indices = #map1}, {transform_indices = #map}, {transform_indices = #map}]} {
    %mul3A = arith.constant 640 : i32
    %mul3A_0 = arith.muli %arg1, %mul3A : i32
    "tpu.region"() ({
      %run_scoped3A_44 = tpu.sem_alloc : memref<!tpu.dma_semaphore, #tpu.memory_space<semaphore_mem>>
      %dma_start3A_45 = arith.constant 0 : i32
      %dma_start3A_46 = tpu.memref_slice %arg9[%mul3A_0, %dma_start3A_45] : memref<10240x128xf32, #tpu.memory_space<vmem_shared>> -> memref<640x128xf32, #tpu.memory_space<vmem_shared>>
      %dma_start3A_47 = arith.constant 0 : i32
      %dma_start3A_48 = tpu.memref_slice %arg4[%mul3A_0, %dma_start3A_47] : memref<10240x128xf32, #tpu.memory_space<hbm>> -> memref<640x128xf32, #tpu.memory_space<hbm>>
      tpu.enqueue_dma source(%dma_start3A_48 : memref<640x128xf32, #tpu.memory_space<hbm>>) target(%dma_start3A_46 : memref<640x128xf32, #tpu.memory_space<vmem_shared>>) target_semaphore(%run_scoped3A_44 : memref<!tpu.dma_semaphore, #tpu.memory_space<semaphore_mem>>)
      %dma_wait3A_49 = arith.constant 0 : i32
      %dma_wait3A_50 = tpu.memref_slice %arg9[%mul3A_0, %dma_wait3A_49] : memref<10240x128xf32, #tpu.memory_space<vmem_shared>> -> memref<640x128xf32, #tpu.memory_space<vmem_shared>>
      %dma_wait3A_51 = arith.constant 0 : i32
      %dma_wait3A_52 = tpu.memref_slice %arg4[%mul3A_0, %dma_wait3A_51] : memref<10240x128xf32, #tpu.memory_space<hbm>> -> memref<640x128xf32, #tpu.memory_space<hbm>>
      tpu.wait_dma2 semaphore(%run_scoped3A_44 : memref<!tpu.dma_semaphore, #tpu.memory_space<semaphore_mem>>) src(%dma_wait3A_52 : memref<640x128xf32, #tpu.memory_space<hbm>>) dst(%dma_wait3A_50 : memref<640x128xf32, #tpu.memory_space<vmem_shared>>)
      tpu.yield
    }) : () -> ()
    %run_scoped3A = arith.constant 0 : i32
    %run_scoped3A_1 = arith.constant 0 : i32
    "tpu.region"() ({
      %run_scoped3A_44 = tpu.sem_alloc : memref<!tpu.dma_semaphore, #tpu.memory_space<semaphore_mem>>
      %dma_start3A_45 = arith.constant 0 : i32
      %dma_start3A_46 = arith.constant 0 : i32
      %dma_start3A_47 = arith.constant 0 : i32
      %dma_start3A_48 = tpu.memref_slice %arg6[%run_scoped3A_1, %dma_start3A_45, %dma_start3A_46, %dma_start3A_47] : memref<2x2x16x128xi32, #tpu.memory_space<vmem>> -> memref<1x2x16x128xi32, #tpu.memory_space<vmem>>
      %dma_start3A_49 = tpu.memref_squeeze %dma_start3A_48 : memref<1x2x16x128xi32, #tpu.memory_space<vmem>> -> memref<2x16x128xi32, #tpu.memory_space<vmem>>
      %dma_start3A_50 = arith.constant 0 : i32
      %dma_start3A_51 = arith.constant 0 : i32
      %dma_start3A_52 = arith.constant 0 : i32
      %dma_start3A_53 = tpu.memref_slice %arg3[%arg0, %arg1, %run_scoped3A, %dma_start3A_50, %dma_start3A_51, %dma_start3A_52] : memref<2x16x10x2x16x128xi32, #tpu.memory_space<hbm>> -> memref<1x1x1x2x16x128xi32, #tpu.memory_space<hbm>>
      %dma_start3A_54 = tpu.memref_squeeze %dma_start3A_53 : memref<1x1x1x2x16x128xi32, #tpu.memory_space<hbm>> -> memref<2x16x128xi32, #tpu.memory_space<hbm>>
      %dma_start3A_55 = arith.constant 0 : i32
      %dma_start3A_56 = arith.constant 0 : i32
      %dma_start3A_57 = arith.constant 0 : i32
      %dma_start3A_58 = tpu.memref_slice %arg6[%run_scoped3A_1, %dma_start3A_55, %dma_start3A_56, %dma_start3A_57] : memref<2x2x16x128xi32, #tpu.memory_space<vmem>> -> memref<1x2x16x128xi32, #tpu.memory_space<vmem>>
      %dma_start3A_59 = tpu.memref_squeeze %dma_start3A_58 : memref<1x2x16x128xi32, #tpu.memory_space<vmem>> -> memref<2x16x128xi32, #tpu.memory_space<vmem>>
      %dma_start3A_60 = arith.constant 0 : i32
      %dma_start3A_61 = arith.constant 0 : i32
      %dma_start3A_62 = arith.constant 0 : i32
      %dma_start3A_63 = tpu.memref_slice %arg3[%arg0, %arg1, %run_scoped3A, %dma_start3A_60, %dma_start3A_61, %dma_start3A_62] : memref<2x16x10x2x16x128xi32, #tpu.memory_space<hbm>> -> memref<1x1x1x2x16x128xi32, #tpu.memory_space<hbm>>
      %dma_start3A_64 = tpu.memref_squeeze %dma_start3A_63 : memref<1x1x1x2x16x128xi32, #tpu.memory_space<hbm>> -> memref<2x16x128xi32, #tpu.memory_space<hbm>>
      tpu.enqueue_dma source(%dma_start3A_64 : memref<2x16x128xi32, #tpu.memory_space<hbm>>) target(%dma_start3A_59 : memref<2x16x128xi32, #tpu.memory_space<vmem>>) target_semaphore(%run_scoped3A_44 : memref<!tpu.dma_semaphore, #tpu.memory_space<semaphore_mem>>)
      %dma_wait3A_65 = arith.constant 0 : i32
      %dma_wait3A_66 = arith.constant 0 : i32
      %dma_wait3A_67 = arith.constant 0 : i32
      %dma_wait3A_68 = tpu.memref_slice %arg6[%run_scoped3A_1, %dma_wait3A_65, %dma_wait3A_66, %dma_wait3A_67] : memref<2x2x16x128xi32, #tpu.memory_space<vmem>> -> memref<1x2x16x128xi32, #tpu.memory_space<vmem>>
      %dma_wait3A_69 = tpu.memref_squeeze %dma_wait3A_68 : memref<1x2x16x128xi32, #tpu.memory_space<vmem>> -> memref<2x16x128xi32, #tpu.memory_space<vmem>>
      %dma_wait3A_70 = arith.constant 0 : i32
      %dma_wait3A_71 = arith.constant 0 : i32
      %dma_wait3A_72 = arith.constant 0 : i32
      %dma_wait3A_73 = tpu.memref_slice %arg3[%arg0, %arg1, %run_scoped3A, %dma_wait3A_70, %dma_wait3A_71, %dma_wait3A_72] : memref<2x16x10x2x16x128xi32, #tpu.memory_space<hbm>> -> memref<1x1x1x2x16x128xi32, #tpu.memory_space<hbm>>
      %dma_wait3A_74 = tpu.memref_squeeze %dma_wait3A_73 : memref<1x1x1x2x16x128xi32, #tpu.memory_space<hbm>> -> memref<2x16x128xi32, #tpu.memory_space<hbm>>
      %dma_wait3A_75 = arith.constant 0 : i32
      %dma_wait3A_76 = arith.constant 0 : i32
      %dma_wait3A_77 = arith.constant 0 : i32
      %dma_wait3A_78 = tpu.memref_slice %arg6[%run_scoped3A_1, %dma_wait3A_75, %dma_wait3A_76, %dma_wait3A_77] : memref<2x2x16x128xi32, #tpu.memory_space<vmem>> -> memref<1x2x16x128xi32, #tpu.memory_space<vmem>>
      %dma_wait3A_79 = tpu.memref_squeeze %dma_wait3A_78 : memref<1x2x16x128xi32, #tpu.memory_space<vmem>> -> memref<2x16x128xi32, #tpu.memory_space<vmem>>
      %dma_wait3A_80 = arith.constant 0 : i32
      %dma_wait3A_81 = arith.constant 0 : i32
      %dma_wait3A_82 = arith.constant 0 : i32
      %dma_wait3A_83 = tpu.memref_slice %arg3[%arg0, %arg1, %run_scoped3A, %dma_wait3A_80, %dma_wait3A_81, %dma_wait3A_82] : memref<2x16x10x2x16x128xi32, #tpu.memory_space<hbm>> -> memref<1x1x1x2x16x128xi32, #tpu.memory_space<hbm>>
      %dma_wait3A_84 = tpu.memref_squeeze %dma_wait3A_83 : memref<1x1x1x2x16x128xi32, #tpu.memory_space<hbm>> -> memref<2x16x128xi32, #tpu.memory_space<hbm>>
      tpu.wait_dma2 semaphore(%run_scoped3A_44 : memref<!tpu.dma_semaphore, #tpu.memory_space<semaphore_mem>>) src(%dma_wait3A_84 : memref<2x16x128xi32, #tpu.memory_space<hbm>>) dst(%dma_wait3A_79 : memref<2x16x128xi32, #tpu.memory_space<vmem>>)
      tpu.yield
    }) : () -> ()
    %barrier3A = arith.constant 0 : index
    tpu.barrier barrier_id(%barrier3A)
    %dma_start3A = arith.constant 0 : i32
    %dma_start3A_2 = arith.constant 0 : i32
    %dma_start3A_3 = arith.constant 0 : i32
    %dma_start3A_4 = arith.constant 0 : i32
    %dma_start3A_5 = tpu.memref_slice %arg6[%dma_start3A, %dma_start3A_2, %dma_start3A_3, %dma_start3A_4] : memref<2x2x16x128xi32, #tpu.memory_space<vmem>> -> memref<1x1x1x128xi32, #tpu.memory_space<vmem>>
    %dma_start3A_6 = tpu.memref_squeeze %dma_start3A_5 : memref<1x1x1x128xi32, #tpu.memory_space<vmem>> -> memref<128xi32, #tpu.memory_space<vmem>>
    %dma_start3A_7 = arith.constant 0 : i32
    %dma_start3A_8 = arith.constant 0 : i32
    %dma_start3A_9 = tpu.memref_slice %arg2[%dma_start3A_7, %dma_start3A_8] : memref<20480x128xf32, #tpu.memory_space<hbm>> -> memref<20480x128xf32, #tpu.memory_space<hbm>>
    tpu.enqueue_indirect_dma source(%dma_start3A_9 : memref<20480x128xf32, #tpu.memory_space<hbm>>) target(%arg7 : memref<128x128xf32, #tpu.memory_space<vmem>>) offsets(%dma_start3A_6 : memref<128xi32, #tpu.memory_space<vmem>>) semaphore(%arg10 : memref<!tpu.dma_semaphore, #tpu.memory_space<semaphore_mem>>)
    %dma_start3A_10 = arith.constant 0 : i32
    %dma_start3A_11 = arith.constant 0 : i32
    %dma_start3A_12 = arith.constant 1 : i32
    %dma_start3A_13 = arith.constant 0 : i32
    %dma_start3A_14 = tpu.memref_slice %arg6[%dma_start3A_10, %dma_start3A_11, %dma_start3A_12, %dma_start3A_13] : memref<2x2x16x128xi32, #tpu.memory_space<vmem>> -> memref<1x1x1x128xi32, #tpu.memory_space<vmem>>
    %dma_start3A_15 = tpu.memref_squeeze %dma_start3A_14 : memref<1x1x1x128xi32, #tpu.memory_space<vmem>> -> memref<128xi32, #tpu.memory_space<vmem>>
    %dma_start3A_16 = arith.constant 0 : i32
    %dma_start3A_17 = arith.constant 0 : i32
    %dma_start3A_18 = tpu.memref_slice %arg2[%dma_start3A_16, %dma_start3A_17] : memref<20480x128xf32, #tpu.memory_space<hbm>> -> memref<20480x128xf32, #tpu.memory_space<hbm>>
    tpu.enqueue_indirect_dma source(%dma_start3A_18 : memref<20480x128xf32, #tpu.memory_space<hbm>>) target(%arg8 : memref<128x128xf32, #tpu.memory_space<vmem>>) offsets(%dma_start3A_15 : memref<128xi32, #tpu.memory_space<vmem>>) semaphore(%arg11 : memref<!tpu.dma_semaphore, #tpu.memory_space<semaphore_mem>>)
    %scan3A = arith.constant 0 : i32
    %scan3A_19 = arith.constant 0 : i32
    %scan3A_20 = arith.constant 80 : i32
    %scan3A_21 = arith.addi %scan3A_19, %scan3A_20 : i32
    %scan3A_22 = arith.constant 1 : i32
    scf.for %scan3A_44 = %scan3A_19 to %scan3A_21 step %scan3A_22  : i32 {
      %jit3A = arith.constant 8 : i32
      %div3A = arith.divsi %scan3A_44, %jit3A : i32
      %sign3A = arith.constant 0 : i32
      %sign3A_45 = arith.cmpi sgt, %scan3A_44, %sign3A : i32
      %sign3A_46 = arith.extui %sign3A_45 : i1 to i32
      %sign3A_47 = arith.constant 0 : i32
      %sign3A_48 = arith.cmpi slt, %scan3A_44, %sign3A_47 : i32
      %sign3A_49 = arith.extui %sign3A_48 : i1 to i32
      %sign3A_50 = arith.subi %sign3A_46, %sign3A_49 : i32
      %sign3A_51 = arith.constant 0 : i32
      %sign3A_52 = arith.cmpi sgt, %jit3A, %sign3A_51 : i32
      %sign3A_53 = arith.extui %sign3A_52 : i1 to i32
      %sign3A_54 = arith.constant 0 : i32
      %sign3A_55 = arith.cmpi slt, %jit3A, %sign3A_54 : i32
      %sign3A_56 = arith.extui %sign3A_55 : i1 to i32
      %sign3A_57 = arith.subi %sign3A_53, %sign3A_56 : i32
      %ne3A = arith.cmpi ne, %sign3A_50, %sign3A_57 : i32
      %rem3A = arith.remsi %scan3A_44, %jit3A : i32
      %ne3A_58 = arith.constant 0 : i32
      %ne3A_59 = arith.cmpi ne, %rem3A, %ne3A_58 : i32
      %and3A = arith.andi %ne3A, %ne3A_59 : i1
      %sub3A = arith.constant 1 : i32
      %sub3A_60 = arith.subi %div3A, %sub3A : i32
      %select_n3A = arith.select %and3A, %sub3A_60, %div3A : i32
      %rem3A_61 = arith.constant 8 : i32
      %rem3A_62 = arith.remsi %scan3A_44, %rem3A_61 : i32
      %rem3A_63 = arith.constant 2 : i32
      %rem3A_64 = arith.remsi %select_n3A, %rem3A_63 : i32
      %eq3A = arith.constant 7 : i32
      %eq3A_65 = arith.cmpi eq, %rem3A_62, %eq3A : i32
      %add3A_66 = arith.constant 1 : i32
      %add3A_67 = arith.addi %select_n3A, %add3A_66 : i32
      %lt3A = arith.constant 10 : i32
      %lt3A_68 = arith.cmpi slt, %add3A_67, %lt3A : i32
      %and3A_69 = arith.andi %eq3A_65, %lt3A_68 : i1
      %convert_element_type3A = arith.extui %and3A_69 : i1 to i32
      %cond3A = arith.constant 0 : i32
      %cond3A_70 = arith.cmpi ne, %convert_element_type3A, %cond3A : i32
      scf.if %cond3A_70 {
        %add3A_148 = arith.constant 1 : i32
        %add3A_149 = arith.addi %select_n3A, %add3A_148 : i32
        %sub3A_150 = arith.constant 1 : i32
        %sub3A_151 = arith.subi %sub3A_150, %rem3A_64 : i32
        %dma_wait3A_152 = arith.constant 0 : i32
        %dma_wait3A_153 = arith.constant 0 : i32
        %dma_wait3A_154 = arith.constant 0 : i32
        %dma_wait3A_155 = tpu.memref_slice %arg6[%sub3A_151, %dma_wait3A_152, %dma_wait3A_153, %dma_wait3A_154] : memref<2x2x16x128xi32, #tpu.memory_space<vmem>> -> memref<1x2x16x128xi32, #tpu.memory_space<vmem>>
        %dma_wait3A_156 = tpu.memref_squeeze %dma_wait3A_155 : memref<1x2x16x128xi32, #tpu.memory_space<vmem>> -> memref<2x16x128xi32, #tpu.memory_space<vmem>>
        %dma_wait3A_157 = arith.constant 0 : i32
        %dma_wait3A_158 = arith.constant 0 : i32
        %dma_wait3A_159 = arith.constant 0 : i32
        %dma_wait3A_160 = tpu.memref_slice %arg3[%arg0, %arg1, %add3A_149, %dma_wait3A_157, %dma_wait3A_158, %dma_wait3A_159] : memref<2x16x10x2x16x128xi32, #tpu.memory_space<hbm>> -> memref<1x1x1x2x16x128xi32, #tpu.memory_space<hbm>>
        %dma_wait3A_161 = tpu.memref_squeeze %dma_wait3A_160 : memref<1x1x1x2x16x128xi32, #tpu.memory_space<hbm>> -> memref<2x16x128xi32, #tpu.memory_space<hbm>>
        %dma_wait3A_162 = arith.constant 0 : i32
        %dma_wait3A_163 = arith.constant 0 : i32
        %dma_wait3A_164 = arith.constant 0 : i32
        %dma_wait3A_165 = tpu.memref_slice %arg6[%sub3A_151, %dma_wait3A_162, %dma_wait3A_163, %dma_wait3A_164] : memref<2x2x16x128xi32, #tpu.memory_space<vmem>> -> memref<1x2x16x128xi32, #tpu.memory_space<vmem>>
        %dma_wait3A_166 = tpu.memref_squeeze %dma_wait3A_165 : memref<1x2x16x128xi32, #tpu.memory_space<vmem>> -> memref<2x16x128xi32, #tpu.memory_space<vmem>>
        %dma_wait3A_167 = arith.constant 0 : i32
        %dma_wait3A_168 = arith.constant 0 : i32
        %dma_wait3A_169 = arith.constant 0 : i32
        %dma_wait3A_170 = tpu.memref_slice %arg3[%arg0, %arg1, %add3A_149, %dma_wait3A_167, %dma_wait3A_168, %dma_wait3A_169] : memref<2x16x10x2x16x128xi32, #tpu.memory_space<hbm>> -> memref<1x1x1x2x16x128xi32, #tpu.memory_space<hbm>>
        %dma_wait3A_171 = tpu.memref_squeeze %dma_wait3A_170 : memref<1x1x1x2x16x128xi32, #tpu.memory_space<hbm>> -> memref<2x16x128xi32, #tpu.memory_space<hbm>>
        tpu.wait_dma2 semaphore(%arg14 : memref<!tpu.dma_semaphore, #tpu.memory_space<semaphore_mem>>) src(%dma_wait3A_171 : memref<2x16x128xi32, #tpu.memory_space<hbm>>) dst(%dma_wait3A_166 : memref<2x16x128xi32, #tpu.memory_space<vmem>>)
      } else {
      }
      %mul3A_71 = arith.constant 2 : i32
      %mul3A_72 = arith.muli %scan3A_44, %mul3A_71 : i32
      %add3A_73 = arith.constant 0 : i32
      %add3A_74 = arith.addi %mul3A_72, %add3A_73 : i32
      %mul3A_75 = arith.constant 2 : i32
      %mul3A_76 = arith.muli %rem3A_62, %mul3A_75 : i32
      %add3A_77 = arith.constant 0 : i32
      %add3A_78 = arith.addi %mul3A_76, %add3A_77 : i32
      %dma_wait3A_79 = arith.constant 0 : i32
      %dma_wait3A_80 = arith.constant 0 : i32
      %dma_wait3A_81 = tpu.memref_slice %arg6[%rem3A_64, %dma_wait3A_79, %add3A_78, %dma_wait3A_80] : memref<2x2x16x128xi32, #tpu.memory_space<vmem>> -> memref<1x1x1x128xi32, #tpu.memory_space<vmem>>
      %dma_wait3A_82 = tpu.memref_squeeze %dma_wait3A_81 : memref<1x1x1x128xi32, #tpu.memory_space<vmem>> -> memref<128xi32, #tpu.memory_space<vmem>>
      %dma_wait3A_83 = arith.constant 0 : i32
      %dma_wait3A_84 = arith.constant 0 : i32
      %dma_wait3A_85 = tpu.memref_slice %arg2[%dma_wait3A_83, %dma_wait3A_84] : memref<20480x128xf32, #tpu.memory_space<hbm>> -> memref<20480x128xf32, #tpu.memory_space<hbm>>
      tpu.wait_indirect_dma semaphore(%arg10 : memref<!tpu.dma_semaphore, #tpu.memory_space<semaphore_mem>>) src(%dma_wait3A_85 : memref<20480x128xf32, #tpu.memory_space<hbm>>) dst(%arg7 : memref<128x128xf32, #tpu.memory_space<vmem>>)
      %dma_start3A_86 = arith.constant 1 : i32
      %dma_start3A_87 = arith.constant 0 : i32
      %dma_start3A_88 = tpu.memref_slice %arg6[%rem3A_64, %dma_start3A_86, %add3A_78, %dma_start3A_87] : memref<2x2x16x128xi32, #tpu.memory_space<vmem>> -> memref<1x1x1x128xi32, #tpu.memory_space<vmem>>
      %dma_start3A_89 = tpu.memref_squeeze %dma_start3A_88 : memref<1x1x1x128xi32, #tpu.memory_space<vmem>> -> memref<128xi32, #tpu.memory_space<vmem>>
      %dma_start3A_90 = arith.constant 0 : i32
      %dma_start3A_91 = arith.constant 0 : i32
      %dma_start3A_92 = tpu.memref_slice %arg9[%dma_start3A_90, %dma_start3A_91] : memref<10240x128xf32, #tpu.memory_space<vmem_shared>> -> memref<10240x128xf32, #tpu.memory_space<vmem_shared>>
      tpu.enqueue_indirect_dma source(%arg7 : memref<128x128xf32, #tpu.memory_space<vmem>>) target(%dma_start3A_92 : memref<10240x128xf32, #tpu.memory_space<vmem_shared>>) offsets(%dma_start3A_89 : memref<128xi32, #tpu.memory_space<vmem>>) semaphore(%arg12 : memref<!tpu.dma_semaphore, #tpu.memory_space<semaphore_mem>>) {add = true}
      %add3A_93 = arith.constant 2 : i32
      %add3A_94 = arith.addi %add3A_74, %add3A_93 : i32
      %sub3A_95 = arith.constant 1 : i32
      %sub3A_96 = arith.subi %add3A_94, %sub3A_95 : i32
      %ge3A = arith.constant 1 : i32
      %ge3A_97 = arith.cmpi sge, %add3A_74, %ge3A : i32
      %lt3A_98 = arith.constant 160 : i32
      %lt3A_99 = arith.cmpi slt, %sub3A_96, %lt3A_98 : i32
      %and3A_100 = arith.andi %ge3A_97, %lt3A_99 : i1
      %convert_element_type3A_101 = arith.extui %and3A_100 : i1 to i32
      %cond3A_102 = arith.constant 0 : i32
      %cond3A_103 = arith.cmpi ne, %convert_element_type3A_101, %cond3A_102 : i32
      scf.if %cond3A_103 {
        %dma_wait3A_148 = arith.constant 1 : i32
        %dma_wait3A_149 = arith.constant 0 : i32
        %dma_wait3A_150 = tpu.memref_slice %arg6[%rem3A_64, %dma_wait3A_148, %add3A_78, %dma_wait3A_149] : memref<2x2x16x128xi32, #tpu.memory_space<vmem>> -> memref<1x1x1x128xi32, #tpu.memory_space<vmem>>
        %dma_wait3A_151 = tpu.memref_squeeze %dma_wait3A_150 : memref<1x1x1x128xi32, #tpu.memory_space<vmem>> -> memref<128xi32, #tpu.memory_space<vmem>>
        %dma_wait3A_152 = arith.constant 0 : i32
        %dma_wait3A_153 = arith.constant 0 : i32
        %dma_wait3A_154 = tpu.memref_slice %arg9[%dma_wait3A_152, %dma_wait3A_153] : memref<10240x128xf32, #tpu.memory_space<vmem_shared>> -> memref<10240x128xf32, #tpu.memory_space<vmem_shared>>
        tpu.wait_indirect_dma semaphore(%arg13 : memref<!tpu.dma_semaphore, #tpu.memory_space<semaphore_mem>>) src(%arg8 : memref<128x128xf32, #tpu.memory_space<vmem>>) dst(%dma_wait3A_154 : memref<10240x128xf32, #tpu.memory_space<vmem_shared>>)
        %jit3A_155 = arith.constant 16 : i32
        %div3A_156 = arith.divsi %sub3A_96, %jit3A_155 : i32
        %sign3A_157 = arith.constant 0 : i32
        %sign3A_158 = arith.cmpi sgt, %sub3A_96, %sign3A_157 : i32
        %sign3A_159 = arith.extui %sign3A_158 : i1 to i32
        %sign3A_160 = arith.constant 0 : i32
        %sign3A_161 = arith.cmpi slt, %sub3A_96, %sign3A_160 : i32
        %sign3A_162 = arith.extui %sign3A_161 : i1 to i32
        %sign3A_163 = arith.subi %sign3A_159, %sign3A_162 : i32
        %sign3A_164 = arith.constant 0 : i32
        %sign3A_165 = arith.cmpi sgt, %jit3A_155, %sign3A_164 : i32
        %sign3A_166 = arith.extui %sign3A_165 : i1 to i32
        %sign3A_167 = arith.constant 0 : i32
        %sign3A_168 = arith.cmpi slt, %jit3A_155, %sign3A_167 : i32
        %sign3A_169 = arith.extui %sign3A_168 : i1 to i32
        %sign3A_170 = arith.subi %sign3A_166, %sign3A_169 : i32
        %ne3A_171 = arith.cmpi ne, %sign3A_163, %sign3A_170 : i32
        %rem3A_172 = arith.remsi %sub3A_96, %jit3A_155 : i32
        %ne3A_173 = arith.constant 0 : i32
        %ne3A_174 = arith.cmpi ne, %rem3A_172, %ne3A_173 : i32
        %and3A_175 = arith.andi %ne3A_171, %ne3A_174 : i1
        %sub3A_176 = arith.constant 1 : i32
        %sub3A_177 = arith.subi %div3A_156, %sub3A_176 : i32
        %select_n3A_178 = arith.select %and3A_175, %sub3A_177, %div3A_156 : i32
        %mul3A_179 = arith.constant 16 : i32
        %mul3A_180 = arith.muli %select_n3A_178, %mul3A_179 : i32
        %sub3A_181 = arith.subi %sub3A_96, %mul3A_180 : i32
        %rem3A_182 = arith.constant 2 : i32
        %rem3A_183 = arith.remsi %select_n3A_178, %rem3A_182 : i32
        %dma_start3A_184 = arith.constant 0 : i32
        %dma_start3A_185 = arith.constant 0 : i32
        %dma_start3A_186 = tpu.memref_slice %arg6[%rem3A_183, %dma_start3A_184, %sub3A_181, %dma_start3A_185] : memref<2x2x16x128xi32, #tpu.memory_space<vmem>> -> memref<1x1x1x128xi32, #tpu.memory_space<vmem>>
        %dma_start3A_187 = tpu.memref_squeeze %dma_start3A_186 : memref<1x1x1x128xi32, #tpu.memory_space<vmem>> -> memref<128xi32, #tpu.memory_space<vmem>>
        %dma_start3A_188 = arith.constant 0 : i32
        %dma_start3A_189 = arith.constant 0 : i32
        %dma_start3A_190 = tpu.memref_slice %arg2[%dma_start3A_188, %dma_start3A_189] : memref<20480x128xf32, #tpu.memory_space<hbm>> -> memref<20480x128xf32, #tpu.memory_space<hbm>>
        tpu.enqueue_indirect_dma source(%dma_start3A_190 : memref<20480x128xf32, #tpu.memory_space<hbm>>) target(%arg8 : memref<128x128xf32, #tpu.memory_space<vmem>>) offsets(%dma_start3A_187 : memref<128xi32, #tpu.memory_space<vmem>>) semaphore(%arg11 : memref<!tpu.dma_semaphore, #tpu.memory_space<semaphore_mem>>)
      } else {
      }
      %mul3A_104 = arith.constant 2 : i32
      %mul3A_105 = arith.muli %scan3A_44, %mul3A_104 : i32
      %add3A_106 = arith.constant 1 : i32
      %add3A_107 = arith.addi %mul3A_105, %add3A_106 : i32
      %mul3A_108 = arith.constant 2 : i32
      %mul3A_109 = arith.muli %rem3A_62, %mul3A_108 : i32
      %add3A_110 = arith.constant 1 : i32
      %add3A_111 = arith.addi %mul3A_109, %add3A_110 : i32
      %dma_wait3A_112 = arith.constant 0 : i32
      %dma_wait3A_113 = arith.constant 0 : i32
      %dma_wait3A_114 = tpu.memref_slice %arg6[%rem3A_64, %dma_wait3A_112, %add3A_111, %dma_wait3A_113] : memref<2x2x16x128xi32, #tpu.memory_space<vmem>> -> memref<1x1x1x128xi32, #tpu.memory_space<vmem>>
      %dma_wait3A_115 = tpu.memref_squeeze %dma_wait3A_114 : memref<1x1x1x128xi32, #tpu.memory_space<vmem>> -> memref<128xi32, #tpu.memory_space<vmem>>
      %dma_wait3A_116 = arith.constant 0 : i32
      %dma_wait3A_117 = arith.constant 0 : i32
      %dma_wait3A_118 = tpu.memref_slice %arg2[%dma_wait3A_116, %dma_wait3A_117] : memref<20480x128xf32, #tpu.memory_space<hbm>> -> memref<20480x128xf32, #tpu.memory_space<hbm>>
      tpu.wait_indirect_dma semaphore(%arg11 : memref<!tpu.dma_semaphore, #tpu.memory_space<semaphore_mem>>) src(%dma_wait3A_118 : memref<20480x128xf32, #tpu.memory_space<hbm>>) dst(%arg8 : memref<128x128xf32, #tpu.memory_space<vmem>>)
      %dma_start3A_119 = arith.constant 1 : i32
      %dma_start3A_120 = arith.constant 0 : i32
      %dma_start3A_121 = tpu.memref_slice %arg6[%rem3A_64, %dma_start3A_119, %add3A_111, %dma_start3A_120] : memref<2x2x16x128xi32, #tpu.memory_space<vmem>> -> memref<1x1x1x128xi32, #tpu.memory_space<vmem>>
      %dma_start3A_122 = tpu.memref_squeeze %dma_start3A_121 : memref<1x1x1x128xi32, #tpu.memory_space<vmem>> -> memref<128xi32, #tpu.memory_space<vmem>>
      %dma_start3A_123 = arith.constant 0 : i32
      %dma_start3A_124 = arith.constant 0 : i32
      %dma_start3A_125 = tpu.memref_slice %arg9[%dma_start3A_123, %dma_start3A_124] : memref<10240x128xf32, #tpu.memory_space<vmem_shared>> -> memref<10240x128xf32, #tpu.memory_space<vmem_shared>>
      tpu.enqueue_indirect_dma source(%arg8 : memref<128x128xf32, #tpu.memory_space<vmem>>) target(%dma_start3A_125 : memref<10240x128xf32, #tpu.memory_space<vmem_shared>>) offsets(%dma_start3A_122 : memref<128xi32, #tpu.memory_space<vmem>>) semaphore(%arg13 : memref<!tpu.dma_semaphore, #tpu.memory_space<semaphore_mem>>) {add = true}
      %add3A_126 = arith.constant 2 : i32
      %add3A_127 = arith.addi %add3A_107, %add3A_126 : i32
      %sub3A_128 = arith.constant 1 : i32
      %sub3A_129 = arith.subi %add3A_127, %sub3A_128 : i32
      %ge3A_130 = arith.constant 1 : i32
      %ge3A_131 = arith.cmpi sge, %add3A_107, %ge3A_130 : i32
      %lt3A_132 = arith.constant 160 : i32
      %lt3A_133 = arith.cmpi slt, %sub3A_129, %lt3A_132 : i32
      %and3A_134 = arith.andi %ge3A_131, %lt3A_133 : i1
      %convert_element_type3A_135 = arith.extui %and3A_134 : i1 to i32
      %cond3A_136 = arith.constant 0 : i32
      %cond3A_137 = arith.cmpi ne, %convert_element_type3A_135, %cond3A_136 : i32
      scf.if %cond3A_137 {
        %dma_wait3A_148 = arith.constant 1 : i32
        %dma_wait3A_149 = arith.constant 0 : i32
        %dma_wait3A_150 = tpu.memref_slice %arg6[%rem3A_64, %dma_wait3A_148, %add3A_111, %dma_wait3A_149] : memref<2x2x16x128xi32, #tpu.memory_space<vmem>> -> memref<1x1x1x128xi32, #tpu.memory_space<vmem>>
        %dma_wait3A_151 = tpu.memref_squeeze %dma_wait3A_150 : memref<1x1x1x128xi32, #tpu.memory_space<vmem>> -> memref<128xi32, #tpu.memory_space<vmem>>
        %dma_wait3A_152 = arith.constant 0 : i32
        %dma_wait3A_153 = arith.constant 0 : i32
        %dma_wait3A_154 = tpu.memref_slice %arg9[%dma_wait3A_152, %dma_wait3A_153] : memref<10240x128xf32, #tpu.memory_space<vmem_shared>> -> memref<10240x128xf32, #tpu.memory_space<vmem_shared>>
        tpu.wait_indirect_dma semaphore(%arg12 : memref<!tpu.dma_semaphore, #tpu.memory_space<semaphore_mem>>) src(%arg7 : memref<128x128xf32, #tpu.memory_space<vmem>>) dst(%dma_wait3A_154 : memref<10240x128xf32, #tpu.memory_space<vmem_shared>>)
        %jit3A_155 = arith.constant 16 : i32
        %div3A_156 = arith.divsi %sub3A_129, %jit3A_155 : i32
        %sign3A_157 = arith.constant 0 : i32
        %sign3A_158 = arith.cmpi sgt, %sub3A_129, %sign3A_157 : i32
        %sign3A_159 = arith.extui %sign3A_158 : i1 to i32
        %sign3A_160 = arith.constant 0 : i32
        %sign3A_161 = arith.cmpi slt, %sub3A_129, %sign3A_160 : i32
        %sign3A_162 = arith.extui %sign3A_161 : i1 to i32
        %sign3A_163 = arith.subi %sign3A_159, %sign3A_162 : i32
        %sign3A_164 = arith.constant 0 : i32
        %sign3A_165 = arith.cmpi sgt, %jit3A_155, %sign3A_164 : i32
        %sign3A_166 = arith.extui %sign3A_165 : i1 to i32
        %sign3A_167 = arith.constant 0 : i32
        %sign3A_168 = arith.cmpi slt, %jit3A_155, %sign3A_167 : i32
        %sign3A_169 = arith.extui %sign3A_168 : i1 to i32
        %sign3A_170 = arith.subi %sign3A_166, %sign3A_169 : i32
        %ne3A_171 = arith.cmpi ne, %sign3A_163, %sign3A_170 : i32
        %rem3A_172 = arith.remsi %sub3A_129, %jit3A_155 : i32
        %ne3A_173 = arith.constant 0 : i32
        %ne3A_174 = arith.cmpi ne, %rem3A_172, %ne3A_173 : i32
        %and3A_175 = arith.andi %ne3A_171, %ne3A_174 : i1
        %sub3A_176 = arith.constant 1 : i32
        %sub3A_177 = arith.subi %div3A_156, %sub3A_176 : i32
        %select_n3A_178 = arith.select %and3A_175, %sub3A_177, %div3A_156 : i32
        %mul3A_179 = arith.constant 16 : i32
        %mul3A_180 = arith.muli %select_n3A_178, %mul3A_179 : i32
        %sub3A_181 = arith.subi %sub3A_129, %mul3A_180 : i32
        %rem3A_182 = arith.constant 2 : i32
        %rem3A_183 = arith.remsi %select_n3A_178, %rem3A_182 : i32
        %dma_start3A_184 = arith.constant 0 : i32
        %dma_start3A_185 = arith.constant 0 : i32
        %dma_start3A_186 = tpu.memref_slice %arg6[%rem3A_183, %dma_start3A_184, %sub3A_181, %dma_start3A_185] : memref<2x2x16x128xi32, #tpu.memory_space<vmem>> -> memref<1x1x1x128xi32, #tpu.memory_space<vmem>>
        %dma_start3A_187 = tpu.memref_squeeze %dma_start3A_186 : memref<1x1x1x128xi32, #tpu.memory_space<vmem>> -> memref<128xi32, #tpu.memory_space<vmem>>
        %dma_start3A_188 = arith.constant 0 : i32
        %dma_start3A_189 = arith.constant 0 : i32
        %dma_start3A_190 = tpu.memref_slice %arg2[%dma_start3A_188, %dma_start3A_189] : memref<20480x128xf32, #tpu.memory_space<hbm>> -> memref<20480x128xf32, #tpu.memory_space<hbm>>
        tpu.enqueue_indirect_dma source(%dma_start3A_190 : memref<20480x128xf32, #tpu.memory_space<hbm>>) target(%arg7 : memref<128x128xf32, #tpu.memory_space<vmem>>) offsets(%dma_start3A_187 : memref<128xi32, #tpu.memory_space<vmem>>) semaphore(%arg10 : memref<!tpu.dma_semaphore, #tpu.memory_space<semaphore_mem>>)
      } else {
      }
      %eq3A_138 = arith.constant 0 : i32
      %eq3A_139 = arith.cmpi eq, %rem3A_62, %eq3A_138 : i32
      %add3A_140 = arith.constant 1 : i32
      %add3A_141 = arith.addi %select_n3A, %add3A_140 : i32
      %lt3A_142 = arith.constant 10 : i32
      %lt3A_143 = arith.cmpi slt, %add3A_141, %lt3A_142 : i32
      %and3A_144 = arith.andi %eq3A_139, %lt3A_143 : i1
      %convert_element_type3A_145 = arith.extui %and3A_144 : i1 to i32
      %cond3A_146 = arith.constant 0 : i32
      %cond3A_147 = arith.cmpi ne, %convert_element_type3A_145, %cond3A_146 : i32
      scf.if %cond3A_147 {
        %add3A_148 = arith.constant 1 : i32
        %add3A_149 = arith.addi %select_n3A, %add3A_148 : i32
        %sub3A_150 = arith.constant 1 : i32
        %sub3A_151 = arith.subi %sub3A_150, %rem3A_64 : i32
        %dma_start3A_152 = arith.constant 0 : i32
        %dma_start3A_153 = arith.constant 0 : i32
        %dma_start3A_154 = arith.constant 0 : i32
        %dma_start3A_155 = tpu.memref_slice %arg6[%sub3A_151, %dma_start3A_152, %dma_start3A_153, %dma_start3A_154] : memref<2x2x16x128xi32, #tpu.memory_space<vmem>> -> memref<1x2x16x128xi32, #tpu.memory_space<vmem>>
        %dma_start3A_156 = tpu.memref_squeeze %dma_start3A_155 : memref<1x2x16x128xi32, #tpu.memory_space<vmem>> -> memref<2x16x128xi32, #tpu.memory_space<vmem>>
        %dma_start3A_157 = arith.constant 0 : i32
        %dma_start3A_158 = arith.constant 0 : i32
        %dma_start3A_159 = arith.constant 0 : i32
        %dma_start3A_160 = tpu.memref_slice %arg3[%arg0, %arg1, %add3A_149, %dma_start3A_157, %dma_start3A_158, %dma_start3A_159] : memref<2x16x10x2x16x128xi32, #tpu.memory_space<hbm>> -> memref<1x1x1x2x16x128xi32, #tpu.memory_space<hbm>>
        %dma_start3A_161 = tpu.memref_squeeze %dma_start3A_160 : memref<1x1x1x2x16x128xi32, #tpu.memory_space<hbm>> -> memref<2x16x128xi32, #tpu.memory_space<hbm>>
        %dma_start3A_162 = arith.constant 0 : i32
        %dma_start3A_163 = arith.constant 0 : i32
        %dma_start3A_164 = arith.constant 0 : i32
        %dma_start3A_165 = tpu.memref_slice %arg6[%sub3A_151, %dma_start3A_162, %dma_start3A_163, %dma_start3A_164] : memref<2x2x16x128xi32, #tpu.memory_space<vmem>> -> memref<1x2x16x128xi32, #tpu.memory_space<vmem>>
        %dma_start3A_166 = tpu.memref_squeeze %dma_start3A_165 : memref<1x2x16x128xi32, #tpu.memory_space<vmem>> -> memref<2x16x128xi32, #tpu.memory_space<vmem>>
        %dma_start3A_167 = arith.constant 0 : i32
        %dma_start3A_168 = arith.constant 0 : i32
        %dma_start3A_169 = arith.constant 0 : i32
        %dma_start3A_170 = tpu.memref_slice %arg3[%arg0, %arg1, %add3A_149, %dma_start3A_167, %dma_start3A_168, %dma_start3A_169] : memref<2x16x10x2x16x128xi32, #tpu.memory_space<hbm>> -> memref<1x1x1x2x16x128xi32, #tpu.memory_space<hbm>>
        %dma_start3A_171 = tpu.memref_squeeze %dma_start3A_170 : memref<1x1x1x2x16x128xi32, #tpu.memory_space<hbm>> -> memref<2x16x128xi32, #tpu.memory_space<hbm>>
        tpu.enqueue_dma source(%dma_start3A_171 : memref<2x16x128xi32, #tpu.memory_space<hbm>>) target(%dma_start3A_166 : memref<2x16x128xi32, #tpu.memory_space<vmem>>) target_semaphore(%arg14 : memref<!tpu.dma_semaphore, #tpu.memory_space<semaphore_mem>>)
      } else {
      }
    }
    %scan3A_23 = arith.constant 80 : i32
    %dma_wait3A = arith.constant 0 : i32
    %dma_wait3A_24 = arith.constant 1 : i32
    %dma_wait3A_25 = arith.constant 0 : i32
    %dma_wait3A_26 = arith.constant 0 : i32
    %dma_wait3A_27 = tpu.memref_slice %arg6[%dma_wait3A, %dma_wait3A_24, %dma_wait3A_25, %dma_wait3A_26] : memref<2x2x16x128xi32, #tpu.memory_space<vmem>> -> memref<1x1x1x128xi32, #tpu.memory_space<vmem>>
    %dma_wait3A_28 = tpu.memref_squeeze %dma_wait3A_27 : memref<1x1x1x128xi32, #tpu.memory_space<vmem>> -> memref<128xi32, #tpu.memory_space<vmem>>
    %dma_wait3A_29 = arith.constant 0 : i32
    %dma_wait3A_30 = arith.constant 0 : i32
    %dma_wait3A_31 = tpu.memref_slice %arg9[%dma_wait3A_29, %dma_wait3A_30] : memref<10240x128xf32, #tpu.memory_space<vmem_shared>> -> memref<10240x128xf32, #tpu.memory_space<vmem_shared>>
    tpu.wait_indirect_dma semaphore(%arg12 : memref<!tpu.dma_semaphore, #tpu.memory_space<semaphore_mem>>) src(%arg7 : memref<128x128xf32, #tpu.memory_space<vmem>>) dst(%dma_wait3A_31 : memref<10240x128xf32, #tpu.memory_space<vmem_shared>>)
    %dma_wait3A_32 = arith.constant 0 : i32
    %dma_wait3A_33 = arith.constant 1 : i32
    %dma_wait3A_34 = arith.constant 0 : i32
    %dma_wait3A_35 = arith.constant 0 : i32
    %dma_wait3A_36 = tpu.memref_slice %arg6[%dma_wait3A_32, %dma_wait3A_33, %dma_wait3A_34, %dma_wait3A_35] : memref<2x2x16x128xi32, #tpu.memory_space<vmem>> -> memref<1x1x1x128xi32, #tpu.memory_space<vmem>>
    %dma_wait3A_37 = tpu.memref_squeeze %dma_wait3A_36 : memref<1x1x1x128xi32, #tpu.memory_space<vmem>> -> memref<128xi32, #tpu.memory_space<vmem>>
    %dma_wait3A_38 = arith.constant 0 : i32
    %dma_wait3A_39 = arith.constant 0 : i32
    %dma_wait3A_40 = tpu.memref_slice %arg9[%dma_wait3A_38, %dma_wait3A_39] : memref<10240x128xf32, #tpu.memory_space<vmem_shared>> -> memref<10240x128xf32, #tpu.memory_space<vmem_shared>>
    tpu.wait_indirect_dma semaphore(%arg13 : memref<!tpu.dma_semaphore, #tpu.memory_space<semaphore_mem>>) src(%arg8 : memref<128x128xf32, #tpu.memory_space<vmem>>) dst(%dma_wait3A_40 : memref<10240x128xf32, #tpu.memory_space<vmem_shared>>)
    %barrier3A_41 = arith.constant 0 : index
    tpu.barrier barrier_id(%barrier3A_41)
    %mul3A_42 = arith.constant 10240 : i32
    %mul3A_43 = arith.muli %arg0, %mul3A_42 : i32
    %add3A = arith.addi %mul3A_43, %mul3A_0 : i32
    "tpu.region"() ({
      %run_scoped3A_44 = tpu.sem_alloc : memref<!tpu.dma_semaphore, #tpu.memory_space<semaphore_mem>>
      %dma_start3A_45 = arith.constant 0 : i32
      %dma_start3A_46 = tpu.memref_slice %arg5[%add3A, %dma_start3A_45] : memref<20480x128xf32, #tpu.memory_space<hbm>> -> memref<640x128xf32, #tpu.memory_space<hbm>>
      %dma_start3A_47 = arith.constant 0 : i32
      %dma_start3A_48 = tpu.memref_slice %arg9[%mul3A_0, %dma_start3A_47] : memref<10240x128xf32, #tpu.memory_space<vmem_shared>> -> memref<640x128xf32, #tpu.memory_space<vmem_shared>>
      tpu.enqueue_dma source(%dma_start3A_48 : memref<640x128xf32, #tpu.memory_space<vmem_shared>>) target(%dma_start3A_46 : memref<640x128xf32, #tpu.memory_space<hbm>>) target_semaphore(%run_scoped3A_44 : memref<!tpu.dma_semaphore, #tpu.memory_space<semaphore_mem>>)
      %dma_wait3A_49 = arith.constant 0 : i32
      %dma_wait3A_50 = tpu.memref_slice %arg5[%add3A, %dma_wait3A_49] : memref<20480x128xf32, #tpu.memory_space<hbm>> -> memref<640x128xf32, #tpu.memory_space<hbm>>
      %dma_wait3A_51 = arith.constant 0 : i32
      %dma_wait3A_52 = tpu.memref_slice %arg9[%mul3A_0, %dma_wait3A_51] : memref<10240x128xf32, #tpu.memory_space<vmem_shared>> -> memref<640x128xf32, #tpu.memory_space<vmem_shared>>
      tpu.wait_dma2 semaphore(%run_scoped3A_44 : memref<!tpu.dma_semaphore, #tpu.memory_space<semaphore_mem>>) src(%dma_wait3A_52 : memref<640x128xf32, #tpu.memory_space<vmem_shared>>) dst(%dma_wait3A_50 : memref<640x128xf32, #tpu.memory_space<hbm>>)
      tpu.yield
    }) : () -> ()
    return
  }
}

#map = affine_map<(d0, d1) -> (0, 0)>
#map1 = affine_map<(d0, d1) -> (0, 0, 0, 0, 0, 0)>
module attributes {stable_mosaic.version = 14 : i64} {
  func.func @k(%arg0: i32, %arg1: i32, %arg2: memref<20480x128xf32, #tpu.memory_space<hbm>>, %arg3: memref<2x16x10x2x16x128xi32, #tpu.memory_space<hbm>>, %arg4: memref<10240x128xf32, #tpu.memory_space<hbm>>, %arg5: memref<20480x128xf32, #tpu.memory_space<hbm>>, %arg6: memref<2x2x16x128xi32, #tpu.memory_space<vmem>>, %arg7: memref<128x128xf32, #tpu.memory_space<vmem>>, %arg8: memref<128x128xf32, #tpu.memory_space<vmem>>, %arg9: memref<10240x128xf32, #tpu.memory_space<vmem_shared>>, %arg10: memref<!tpu.dma_semaphore, #tpu.memory_space<semaphore_mem>>, %arg11: memref<!tpu.dma_semaphore, #tpu.memory_space<semaphore_mem>>, %arg12: memref<!tpu.dma_semaphore, #tpu.memory_space<semaphore_mem>>, %arg13: memref<!tpu.dma_semaphore, #tpu.memory_space<semaphore_mem>>, %arg14: memref<!tpu.dma_semaphore, #tpu.memory_space<semaphore_mem>>) attributes {dimension_semantics = [#tpu.dimension_semantics<core_parallel>, #tpu.dimension_semantics<subcore_parallel>], iteration_bounds = array<i64: 2, 16>, scalar_prefetch = 0 : i64, scratch_operands = 9 : i64, tpu.core_type = #tpu.core_type<sc_vector_subcore>, window_params = [{transform_indices = #map}, {transform_indices = #map1}, {transform_indices = #map}, {transform_indices = #map}]} {
    %mul3A = arith.constant 640 : i32
    %mul3A_0 = arith.muli %arg1, %mul3A : i32
    "tpu.region"() ({
      %run_scoped3A_44 = tpu.sem_alloc : memref<!tpu.dma_semaphore, #tpu.memory_space<semaphore_mem>>
      %dma_start3A_45 = arith.constant 0 : i32
      %dma_start3A_46 = tpu.memref_slice %arg9[%mul3A_0, %dma_start3A_45] : memref<10240x128xf32, #tpu.memory_space<vmem_shared>> -> memref<640x128xf32, #tpu.memory_space<vmem_shared>>
      %dma_start3A_47 = arith.constant 0 : i32
      %dma_start3A_48 = tpu.memref_slice %arg4[%mul3A_0, %dma_start3A_47] : memref<10240x128xf32, #tpu.memory_space<hbm>> -> memref<640x128xf32, #tpu.memory_space<hbm>>
      tpu.enqueue_dma source(%dma_start3A_48 : memref<640x128xf32, #tpu.memory_space<hbm>>) target(%dma_start3A_46 : memref<640x128xf32, #tpu.memory_space<vmem_shared>>) target_semaphore(%run_scoped3A_44 : memref<!tpu.dma_semaphore, #tpu.memory_space<semaphore_mem>>)
      %dma_wait3A_49 = arith.constant 0 : i32
      %dma_wait3A_50 = tpu.memref_slice %arg9[%mul3A_0, %dma_wait3A_49] : memref<10240x128xf32, #tpu.memory_space<vmem_shared>> -> memref<640x128xf32, #tpu.memory_space<vmem_shared>>
      %dma_wait3A_51 = arith.constant 0 : i32
      %dma_wait3A_52 = tpu.memref_slice %arg4[%mul3A_0, %dma_wait3A_51] : memref<10240x128xf32, #tpu.memory_space<hbm>> -> memref<640x128xf32, #tpu.memory_space<hbm>>
      tpu.wait_dma2 semaphore(%run_scoped3A_44 : memref<!tpu.dma_semaphore, #tpu.memory_space<semaphore_mem>>) src(%dma_wait3A_52 : memref<640x128xf32, #tpu.memory_space<hbm>>) dst(%dma_wait3A_50 : memref<640x128xf32, #tpu.memory_space<vmem_shared>>)
      tpu.yield
    }) : () -> ()
    %run_scoped3A = arith.constant 0 : i32
    %run_scoped3A_1 = arith.constant 0 : i32
    "tpu.region"() ({
      %run_scoped3A_44 = tpu.sem_alloc : memref<!tpu.dma_semaphore, #tpu.memory_space<semaphore_mem>>
      %dma_start3A_45 = arith.constant 0 : i32
      %dma_start3A_46 = arith.constant 0 : i32
      %dma_start3A_47 = arith.constant 0 : i32
      %dma_start3A_48 = tpu.memref_slice %arg6[%run_scoped3A_1, %dma_start3A_45, %dma_start3A_46, %dma_start3A_47] : memref<2x2x16x128xi32, #tpu.memory_space<vmem>> -> memref<1x2x16x128xi32, #tpu.memory_space<vmem>>
      %dma_start3A_49 = tpu.memref_squeeze %dma_start3A_48 : memref<1x2x16x128xi32, #tpu.memory_space<vmem>> -> memref<2x16x128xi32, #tpu.memory_space<vmem>>
      %dma_start3A_50 = arith.constant 0 : i32
      %dma_start3A_51 = arith.constant 0 : i32
      %dma_start3A_52 = arith.constant 0 : i32
      %dma_start3A_53 = tpu.memref_slice %arg3[%arg0, %arg1, %run_scoped3A, %dma_start3A_50, %dma_start3A_51, %dma_start3A_52] : memref<2x16x10x2x16x128xi32, #tpu.memory_space<hbm>> -> memref<1x1x1x2x16x128xi32, #tpu.memory_space<hbm>>
      %dma_start3A_54 = tpu.memref_squeeze %dma_start3A_53 : memref<1x1x1x2x16x128xi32, #tpu.memory_space<hbm>> -> memref<2x16x128xi32, #tpu.memory_space<hbm>>
      %dma_start3A_55 = arith.constant 0 : i32
      %dma_start3A_56 = arith.constant 0 : i32
      %dma_start3A_57 = arith.constant 0 : i32
      %dma_start3A_58 = tpu.memref_slice %arg6[%run_scoped3A_1, %dma_start3A_55, %dma_start3A_56, %dma_start3A_57] : memref<2x2x16x128xi32, #tpu.memory_space<vmem>> -> memref<1x2x16x128xi32, #tpu.memory_space<vmem>>
      %dma_start3A_59 = tpu.memref_squeeze %dma_start3A_58 : memref<1x2x16x128xi32, #tpu.memory_space<vmem>> -> memref<2x16x128xi32, #tpu.memory_space<vmem>>
      %dma_start3A_60 = arith.constant 0 : i32
      %dma_start3A_61 = arith.constant 0 : i32
      %dma_start3A_62 = arith.constant 0 : i32
      %dma_start3A_63 = tpu.memref_slice %arg3[%arg0, %arg1, %run_scoped3A, %dma_start3A_60, %dma_start3A_61, %dma_start3A_62] : memref<2x16x10x2x16x128xi32, #tpu.memory_space<hbm>> -> memref<1x1x1x2x16x128xi32, #tpu.memory_space<hbm>>
      %dma_start3A_64 = tpu.memref_squeeze %dma_start3A_63 : memref<1x1x1x2x16x128xi32, #tpu.memory_space<hbm>> -> memref<2x16x128xi32, #tpu.memory_space<hbm>>
      tpu.enqueue_dma source(%dma_start3A_64 : memref<2x16x128xi32, #tpu.memory_space<hbm>>) target(%dma_start3A_59 : memref<2x16x128xi32, #tpu.memory_space<vmem>>) target_semaphore(%run_scoped3A_44 : memref<!tpu.dma_semaphore, #tpu.memory_space<semaphore_mem>>)
      %dma_wait3A_65 = arith.constant 0 : i32
      %dma_wait3A_66 = arith.constant 0 : i32
      %dma_wait3A_67 = arith.constant 0 : i32
      %dma_wait3A_68 = tpu.memref_slice %arg6[%run_scoped3A_1, %dma_wait3A_65, %dma_wait3A_66, %dma_wait3A_67] : memref<2x2x16x128xi32, #tpu.memory_space<vmem>> -> memref<1x2x16x128xi32, #tpu.memory_space<vmem>>
      %dma_wait3A_69 = tpu.memref_squeeze %dma_wait3A_68 : memref<1x2x16x128xi32, #tpu.memory_space<vmem>> -> memref<2x16x128xi32, #tpu.memory_space<vmem>>
      %dma_wait3A_70 = arith.constant 0 : i32
      %dma_wait3A_71 = arith.constant 0 : i32
      %dma_wait3A_72 = arith.constant 0 : i32
      %dma_wait3A_73 = tpu.memref_slice %arg3[%arg0, %arg1, %run_scoped3A, %dma_wait3A_70, %dma_wait3A_71, %dma_wait3A_72] : memref<2x16x10x2x16x128xi32, #tpu.memory_space<hbm>> -> memref<1x1x1x2x16x128xi32, #tpu.memory_space<hbm>>
      %dma_wait3A_74 = tpu.memref_squeeze %dma_wait3A_73 : memref<1x1x1x2x16x128xi32, #tpu.memory_space<hbm>> -> memref<2x16x128xi32, #tpu.memory_space<hbm>>
      %dma_wait3A_75 = arith.constant 0 : i32
      %dma_wait3A_76 = arith.constant 0 : i32
      %dma_wait3A_77 = arith.constant 0 : i32
      %dma_wait3A_78 = tpu.memref_slice %arg6[%run_scoped3A_1, %dma_wait3A_75, %dma_wait3A_76, %dma_wait3A_77] : memref<2x2x16x128xi32, #tpu.memory_space<vmem>> -> memref<1x2x16x128xi32, #tpu.memory_space<vmem>>
      %dma_wait3A_79 = tpu.memref_squeeze %dma_wait3A_78 : memref<1x2x16x128xi32, #tpu.memory_space<vmem>> -> memref<2x16x128xi32, #tpu.memory_space<vmem>>
      %dma_wait3A_80 = arith.constant 0 : i32
      %dma_wait3A_81 = arith.constant 0 : i32
      %dma_wait3A_82 = arith.constant 0 : i32
      %dma_wait3A_83 = tpu.memref_slice %arg3[%arg0, %arg1, %run_scoped3A, %dma_wait3A_80, %dma_wait3A_81, %dma_wait3A_82] : memref<2x16x10x2x16x128xi32, #tpu.memory_space<hbm>> -> memref<1x1x1x2x16x128xi32, #tpu.memory_space<hbm>>
      %dma_wait3A_84 = tpu.memref_squeeze %dma_wait3A_83 : memref<1x1x1x2x16x128xi32, #tpu.memory_space<hbm>> -> memref<2x16x128xi32, #tpu.memory_space<hbm>>
      tpu.wait_dma2 semaphore(%run_scoped3A_44 : memref<!tpu.dma_semaphore, #tpu.memory_space<semaphore_mem>>) src(%dma_wait3A_84 : memref<2x16x128xi32, #tpu.memory_space<hbm>>) dst(%dma_wait3A_79 : memref<2x16x128xi32, #tpu.memory_space<vmem>>)
      tpu.yield
    }) : () -> ()
    %barrier3A = arith.constant 0 : index
    tpu.barrier barrier_id(%barrier3A)
    %dma_start3A = arith.constant 0 : i32
    %dma_start3A_2 = arith.constant 0 : i32
    %dma_start3A_3 = arith.constant 0 : i32
    %dma_start3A_4 = arith.constant 0 : i32
    %dma_start3A_5 = tpu.memref_slice %arg6[%dma_start3A, %dma_start3A_2, %dma_start3A_3, %dma_start3A_4] : memref<2x2x16x128xi32, #tpu.memory_space<vmem>> -> memref<1x1x1x128xi32, #tpu.memory_space<vmem>>
    %dma_start3A_6 = tpu.memref_squeeze %dma_start3A_5 : memref<1x1x1x128xi32, #tpu.memory_space<vmem>> -> memref<128xi32, #tpu.memory_space<vmem>>
    %dma_start3A_7 = arith.constant 0 : i32
    %dma_start3A_8 = arith.constant 0 : i32
    %dma_start3A_9 = tpu.memref_slice %arg2[%dma_start3A_7, %dma_start3A_8] : memref<20480x128xf32, #tpu.memory_space<hbm>> -> memref<20480x128xf32, #tpu.memory_space<hbm>>
    tpu.enqueue_indirect_dma source(%dma_start3A_9 : memref<20480x128xf32, #tpu.memory_space<hbm>>) target(%arg7 : memref<128x128xf32, #tpu.memory_space<vmem>>) offsets(%dma_start3A_6 : memref<128xi32, #tpu.memory_space<vmem>>) semaphore(%arg10 : memref<!tpu.dma_semaphore, #tpu.memory_space<semaphore_mem>>)
    %dma_start3A_10 = arith.constant 0 : i32
    %dma_start3A_11 = arith.constant 0 : i32
    %dma_start3A_12 = arith.constant 1 : i32
    %dma_start3A_13 = arith.constant 0 : i32
    %dma_start3A_14 = tpu.memref_slice %arg6[%dma_start3A_10, %dma_start3A_11, %dma_start3A_12, %dma_start3A_13] : memref<2x2x16x128xi32, #tpu.memory_space<vmem>> -> memref<1x1x1x128xi32, #tpu.memory_space<vmem>>
    %dma_start3A_15 = tpu.memref_squeeze %dma_start3A_14 : memref<1x1x1x128xi32, #tpu.memory_space<vmem>> -> memref<128xi32, #tpu.memory_space<vmem>>
    %dma_start3A_16 = arith.constant 0 : i32
    %dma_start3A_17 = arith.constant 0 : i32
    %dma_start3A_18 = tpu.memref_slice %arg2[%dma_start3A_16, %dma_start3A_17] : memref<20480x128xf32, #tpu.memory_space<hbm>> -> memref<20480x128xf32, #tpu.memory_space<hbm>>
    tpu.enqueue_indirect_dma source(%dma_start3A_18 : memref<20480x128xf32, #tpu.memory_space<hbm>>) target(%arg8 : memref<128x128xf32, #tpu.memory_space<vmem>>) offsets(%dma_start3A_15 : memref<128xi32, #tpu.memory_space<vmem>>) semaphore(%arg11 : memref<!tpu.dma_semaphore, #tpu.memory_space<semaphore_mem>>)
    %scan3A = arith.constant 0 : i32
    %scan3A_19 = arith.constant 0 : i32
    %scan3A_20 = arith.constant 80 : i32
    %scan3A_21 = arith.addi %scan3A_19, %scan3A_20 : i32
    %scan3A_22 = arith.constant 1 : i32
    scf.for %scan3A_44 = %scan3A_19 to %scan3A_21 step %scan3A_22  : i32 {
      %jit3A = arith.constant 8 : i32
      %div3A = arith.divsi %scan3A_44, %jit3A : i32
      %sign3A = arith.constant 0 : i32
      %sign3A_45 = arith.cmpi sgt, %scan3A_44, %sign3A : i32
      %sign3A_46 = arith.extui %sign3A_45 : i1 to i32
      %sign3A_47 = arith.constant 0 : i32
      %sign3A_48 = arith.cmpi slt, %scan3A_44, %sign3A_47 : i32
      %sign3A_49 = arith.extui %sign3A_48 : i1 to i32
      %sign3A_50 = arith.subi %sign3A_46, %sign3A_49 : i32
      %sign3A_51 = arith.constant 0 : i32
      %sign3A_52 = arith.cmpi sgt, %jit3A, %sign3A_51 : i32
      %sign3A_53 = arith.extui %sign3A_52 : i1 to i32
      %sign3A_54 = arith.constant 0 : i32
      %sign3A_55 = arith.cmpi slt, %jit3A, %sign3A_54 : i32
      %sign3A_56 = arith.extui %sign3A_55 : i1 to i32
      %sign3A_57 = arith.subi %sign3A_53, %sign3A_56 : i32
      %ne3A = arith.cmpi ne, %sign3A_50, %sign3A_57 : i32
      %rem3A = arith.remsi %scan3A_44, %jit3A : i32
      %ne3A_58 = arith.constant 0 : i32
      %ne3A_59 = arith.cmpi ne, %rem3A, %ne3A_58 : i32
      %and3A = arith.andi %ne3A, %ne3A_59 : i1
      %sub3A = arith.constant 1 : i32
      %sub3A_60 = arith.subi %div3A, %sub3A : i32
      %select_n3A = arith.select %and3A, %sub3A_60, %div3A : i32
      %rem3A_61 = arith.constant 8 : i32
      %rem3A_62 = arith.remsi %scan3A_44, %rem3A_61 : i32
      %rem3A_63 = arith.constant 2 : i32
      %rem3A_64 = arith.remsi %select_n3A, %rem3A_63 : i32
      %eq3A = arith.constant 7 : i32
      %eq3A_65 = arith.cmpi eq, %rem3A_62, %eq3A : i32
      %add3A_66 = arith.constant 1 : i32
      %add3A_67 = arith.addi %select_n3A, %add3A_66 : i32
      %lt3A = arith.constant 10 : i32
      %lt3A_68 = arith.cmpi slt, %add3A_67, %lt3A : i32
      %and3A_69 = arith.andi %eq3A_65, %lt3A_68 : i1
      %convert_element_type3A = arith.extui %and3A_69 : i1 to i32
      %cond3A = arith.constant 0 : i32
      %cond3A_70 = arith.cmpi ne, %convert_element_type3A, %cond3A : i32
      scf.if %cond3A_70 {
        %add3A_148 = arith.constant 1 : i32
        %add3A_149 = arith.addi %select_n3A, %add3A_148 : i32
        %sub3A_150 = arith.constant 1 : i32
        %sub3A_151 = arith.subi %sub3A_150, %rem3A_64 : i32
        %dma_wait3A_152 = arith.constant 0 : i32
        %dma_wait3A_153 = arith.constant 0 : i32
        %dma_wait3A_154 = arith.constant 0 : i32
        %dma_wait3A_155 = tpu.memref_slice %arg6[%sub3A_151, %dma_wait3A_152, %dma_wait3A_153, %dma_wait3A_154] : memref<2x2x16x128xi32, #tpu.memory_space<vmem>> -> memref<1x2x16x128xi32, #tpu.memory_space<vmem>>
        %dma_wait3A_156 = tpu.memref_squeeze %dma_wait3A_155 : memref<1x2x16x128xi32, #tpu.memory_space<vmem>> -> memref<2x16x128xi32, #tpu.memory_space<vmem>>
        %dma_wait3A_157 = arith.constant 0 : i32
        %dma_wait3A_158 = arith.constant 0 : i32
        %dma_wait3A_159 = arith.constant 0 : i32
        %dma_wait3A_160 = tpu.memref_slice %arg3[%arg0, %arg1, %add3A_149, %dma_wait3A_157, %dma_wait3A_158, %dma_wait3A_159] : memref<2x16x10x2x16x128xi32, #tpu.memory_space<hbm>> -> memref<1x1x1x2x16x128xi32, #tpu.memory_space<hbm>>
        %dma_wait3A_161 = tpu.memref_squeeze %dma_wait3A_160 : memref<1x1x1x2x16x128xi32, #tpu.memory_space<hbm>> -> memref<2x16x128xi32, #tpu.memory_space<hbm>>
        %dma_wait3A_162 = arith.constant 0 : i32
        %dma_wait3A_163 = arith.constant 0 : i32
        %dma_wait3A_164 = arith.constant 0 : i32
        %dma_wait3A_165 = tpu.memref_slice %arg6[%sub3A_151, %dma_wait3A_162, %dma_wait3A_163, %dma_wait3A_164] : memref<2x2x16x128xi32, #tpu.memory_space<vmem>> -> memref<1x2x16x128xi32, #tpu.memory_space<vmem>>
        %dma_wait3A_166 = tpu.memref_squeeze %dma_wait3A_165 : memref<1x2x16x128xi32, #tpu.memory_space<vmem>> -> memref<2x16x128xi32, #tpu.memory_space<vmem>>
        %dma_wait3A_167 = arith.constant 0 : i32
        %dma_wait3A_168 = arith.constant 0 : i32
        %dma_wait3A_169 = arith.constant 0 : i32
        %dma_wait3A_170 = tpu.memref_slice %arg3[%arg0, %arg1, %add3A_149, %dma_wait3A_167, %dma_wait3A_168, %dma_wait3A_169] : memref<2x16x10x2x16x128xi32, #tpu.memory_space<hbm>> -> memref<1x1x1x2x16x128xi32, #tpu.memory_space<hbm>>
        %dma_wait3A_171 = tpu.memref_squeeze %dma_wait3A_170 : memref<1x1x1x2x16x128xi32, #tpu.memory_space<hbm>> -> memref<2x16x128xi32, #tpu.memory_space<hbm>>
        tpu.wait_dma2 semaphore(%arg14 : memref<!tpu.dma_semaphore, #tpu.memory_space<semaphore_mem>>) src(%dma_wait3A_171 : memref<2x16x128xi32, #tpu.memory_space<hbm>>) dst(%dma_wait3A_166 : memref<2x16x128xi32, #tpu.memory_space<vmem>>)
      } else {
      }
      %mul3A_71 = arith.constant 2 : i32
      %mul3A_72 = arith.muli %scan3A_44, %mul3A_71 : i32
      %add3A_73 = arith.constant 0 : i32
      %add3A_74 = arith.addi %mul3A_72, %add3A_73 : i32
      %mul3A_75 = arith.constant 2 : i32
      %mul3A_76 = arith.muli %rem3A_62, %mul3A_75 : i32
      %add3A_77 = arith.constant 0 : i32
      %add3A_78 = arith.addi %mul3A_76, %add3A_77 : i32
      %dma_wait3A_79 = arith.constant 0 : i32
      %dma_wait3A_80 = arith.constant 0 : i32
      %dma_wait3A_81 = tpu.memref_slice %arg6[%rem3A_64, %dma_wait3A_79, %add3A_78, %dma_wait3A_80] : memref<2x2x16x128xi32, #tpu.memory_space<vmem>> -> memref<1x1x1x128xi32, #tpu.memory_space<vmem>>
      %dma_wait3A_82 = tpu.memref_squeeze %dma_wait3A_81 : memref<1x1x1x128xi32, #tpu.memory_space<vmem>> -> memref<128xi32, #tpu.memory_space<vmem>>
      %dma_wait3A_83 = arith.constant 0 : i32
      %dma_wait3A_84 = arith.constant 0 : i32
      %dma_wait3A_85 = tpu.memref_slice %arg2[%dma_wait3A_83, %dma_wait3A_84] : memref<20480x128xf32, #tpu.memory_space<hbm>> -> memref<20480x128xf32, #tpu.memory_space<hbm>>
      tpu.wait_indirect_dma semaphore(%arg10 : memref<!tpu.dma_semaphore, #tpu.memory_space<semaphore_mem>>) src(%dma_wait3A_85 : memref<20480x128xf32, #tpu.memory_space<hbm>>) dst(%arg7 : memref<128x128xf32, #tpu.memory_space<vmem>>)
      %dma_start3A_86 = arith.constant 1 : i32
      %dma_start3A_87 = arith.constant 0 : i32
      %dma_start3A_88 = tpu.memref_slice %arg6[%rem3A_64, %dma_start3A_86, %add3A_78, %dma_start3A_87] : memref<2x2x16x128xi32, #tpu.memory_space<vmem>> -> memref<1x1x1x128xi32, #tpu.memory_space<vmem>>
      %dma_start3A_89 = tpu.memref_squeeze %dma_start3A_88 : memref<1x1x1x128xi32, #tpu.memory_space<vmem>> -> memref<128xi32, #tpu.memory_space<vmem>>
      %dma_start3A_90 = arith.constant 0 : i32
      %dma_start3A_91 = arith.constant 0 : i32
      %dma_start3A_92 = tpu.memref_slice %arg9[%dma_start3A_90, %dma_start3A_91] : memref<10240x128xf32, #tpu.memory_space<vmem_shared>> -> memref<10240x128xf32, #tpu.memory_space<vmem_shared>>
      tpu.enqueue_indirect_dma source(%arg7 : memref<128x128xf32, #tpu.memory_space<vmem>>) target(%dma_start3A_92 : memref<10240x128xf32, #tpu.memory_space<vmem_shared>>) offsets(%dma_start3A_89 : memref<128xi32, #tpu.memory_space<vmem>>) semaphore(%arg12 : memref<!tpu.dma_semaphore, #tpu.memory_space<semaphore_mem>>) {add = true}
      %add3A_93 = arith.constant 2 : i32
      %add3A_94 = arith.addi %add3A_74, %add3A_93 : i32
      %sub3A_95 = arith.constant 1 : i32
      %sub3A_96 = arith.subi %add3A_94, %sub3A_95 : i32
      %ge3A = arith.constant 1 : i32
      %ge3A_97 = arith.cmpi sge, %add3A_74, %ge3A : i32
      %lt3A_98 = arith.constant 160 : i32
      %lt3A_99 = arith.cmpi slt, %sub3A_96, %lt3A_98 : i32
      %and3A_100 = arith.andi %ge3A_97, %lt3A_99 : i1
      %convert_element_type3A_101 = arith.extui %and3A_100 : i1 to i32
      %cond3A_102 = arith.constant 0 : i32
      %cond3A_103 = arith.cmpi ne, %convert_element_type3A_101, %cond3A_102 : i32
      scf.if %cond3A_103 {
        %dma_wait3A_148 = arith.constant 1 : i32
        %dma_wait3A_149 = arith.constant 0 : i32
        %dma_wait3A_150 = tpu.memref_slice %arg6[%rem3A_64, %dma_wait3A_148, %add3A_78, %dma_wait3A_149] : memref<2x2x16x128xi32, #tpu.memory_space<vmem>> -> memref<1x1x1x128xi32, #tpu.memory_space<vmem>>
        %dma_wait3A_151 = tpu.memref_squeeze %dma_wait3A_150 : memref<1x1x1x128xi32, #tpu.memory_space<vmem>> -> memref<128xi32, #tpu.memory_space<vmem>>
        %dma_wait3A_152 = arith.constant 0 : i32
        %dma_wait3A_153 = arith.constant 0 : i32
        %dma_wait3A_154 = tpu.memref_slice %arg9[%dma_wait3A_152, %dma_wait3A_153] : memref<10240x128xf32, #tpu.memory_space<vmem_shared>> -> memref<10240x128xf32, #tpu.memory_space<vmem_shared>>
        tpu.wait_indirect_dma semaphore(%arg13 : memref<!tpu.dma_semaphore, #tpu.memory_space<semaphore_mem>>) src(%arg8 : memref<128x128xf32, #tpu.memory_space<vmem>>) dst(%dma_wait3A_154 : memref<10240x128xf32, #tpu.memory_space<vmem_shared>>)
        %jit3A_155 = arith.constant 16 : i32
        %div3A_156 = arith.divsi %sub3A_96, %jit3A_155 : i32
        %sign3A_157 = arith.constant 0 : i32
        %sign3A_158 = arith.cmpi sgt, %sub3A_96, %sign3A_157 : i32
        %sign3A_159 = arith.extui %sign3A_158 : i1 to i32
        %sign3A_160 = arith.constant 0 : i32
        %sign3A_161 = arith.cmpi slt, %sub3A_96, %sign3A_160 : i32
        %sign3A_162 = arith.extui %sign3A_161 : i1 to i32
        %sign3A_163 = arith.subi %sign3A_159, %sign3A_162 : i32
        %sign3A_164 = arith.constant 0 : i32
        %sign3A_165 = arith.cmpi sgt, %jit3A_155, %sign3A_164 : i32
        %sign3A_166 = arith.extui %sign3A_165 : i1 to i32
        %sign3A_167 = arith.constant 0 : i32
        %sign3A_168 = arith.cmpi slt, %jit3A_155, %sign3A_167 : i32
        %sign3A_169 = arith.extui %sign3A_168 : i1 to i32
        %sign3A_170 = arith.subi %sign3A_166, %sign3A_169 : i32
        %ne3A_171 = arith.cmpi ne, %sign3A_163, %sign3A_170 : i32
        %rem3A_172 = arith.remsi %sub3A_96, %jit3A_155 : i32
        %ne3A_173 = arith.constant 0 : i32
        %ne3A_174 = arith.cmpi ne, %rem3A_172, %ne3A_173 : i32
        %and3A_175 = arith.andi %ne3A_171, %ne3A_174 : i1
        %sub3A_176 = arith.constant 1 : i32
        %sub3A_177 = arith.subi %div3A_156, %sub3A_176 : i32
        %select_n3A_178 = arith.select %and3A_175, %sub3A_177, %div3A_156 : i32
        %mul3A_179 = arith.constant 16 : i32
        %mul3A_180 = arith.muli %select_n3A_178, %mul3A_179 : i32
        %sub3A_181 = arith.subi %sub3A_96, %mul3A_180 : i32
        %rem3A_182 = arith.constant 2 : i32
        %rem3A_183 = arith.remsi %select_n3A_178, %rem3A_182 : i32
        %dma_start3A_184 = arith.constant 0 : i32
        %dma_start3A_185 = arith.constant 0 : i32
        %dma_start3A_186 = tpu.memref_slice %arg6[%rem3A_183, %dma_start3A_184, %sub3A_181, %dma_start3A_185] : memref<2x2x16x128xi32, #tpu.memory_space<vmem>> -> memref<1x1x1x128xi32, #tpu.memory_space<vmem>>
        %dma_start3A_187 = tpu.memref_squeeze %dma_start3A_186 : memref<1x1x1x128xi32, #tpu.memory_space<vmem>> -> memref<128xi32, #tpu.memory_space<vmem>>
        %dma_start3A_188 = arith.constant 0 : i32
        %dma_start3A_189 = arith.constant 0 : i32
        %dma_start3A_190 = tpu.memref_slice %arg2[%dma_start3A_188, %dma_start3A_189] : memref<20480x128xf32, #tpu.memory_space<hbm>> -> memref<20480x128xf32, #tpu.memory_space<hbm>>
        tpu.enqueue_indirect_dma source(%dma_start3A_190 : memref<20480x128xf32, #tpu.memory_space<hbm>>) target(%arg8 : memref<128x128xf32, #tpu.memory_space<vmem>>) offsets(%dma_start3A_187 : memref<128xi32, #tpu.memory_space<vmem>>) semaphore(%arg11 : memref<!tpu.dma_semaphore, #tpu.memory_space<semaphore_mem>>)
      } else {
      }
      %mul3A_104 = arith.constant 2 : i32
      %mul3A_105 = arith.muli %scan3A_44, %mul3A_104 : i32
      %add3A_106 = arith.constant 1 : i32
      %add3A_107 = arith.addi %mul3A_105, %add3A_106 : i32
      %mul3A_108 = arith.constant 2 : i32
      %mul3A_109 = arith.muli %rem3A_62, %mul3A_108 : i32
      %add3A_110 = arith.constant 1 : i32
      %add3A_111 = arith.addi %mul3A_109, %add3A_110 : i32
      %dma_wait3A_112 = arith.constant 0 : i32
      %dma_wait3A_113 = arith.constant 0 : i32
      %dma_wait3A_114 = tpu.memref_slice %arg6[%rem3A_64, %dma_wait3A_112, %add3A_111, %dma_wait3A_113] : memref<2x2x16x128xi32, #tpu.memory_space<vmem>> -> memref<1x1x1x128xi32, #tpu.memory_space<vmem>>
      %dma_wait3A_115 = tpu.memref_squeeze %dma_wait3A_114 : memref<1x1x1x128xi32, #tpu.memory_space<vmem>> -> memref<128xi32, #tpu.memory_space<vmem>>
      %dma_wait3A_116 = arith.constant 0 : i32
      %dma_wait3A_117 = arith.constant 0 : i32
      %dma_wait3A_118 = tpu.memref_slice %arg2[%dma_wait3A_116, %dma_wait3A_117] : memref<20480x128xf32, #tpu.memory_space<hbm>> -> memref<20480x128xf32, #tpu.memory_space<hbm>>
      tpu.wait_indirect_dma semaphore(%arg11 : memref<!tpu.dma_semaphore, #tpu.memory_space<semaphore_mem>>) src(%dma_wait3A_118 : memref<20480x128xf32, #tpu.memory_space<hbm>>) dst(%arg8 : memref<128x128xf32, #tpu.memory_space<vmem>>)
      %dma_start3A_119 = arith.constant 1 : i32
      %dma_start3A_120 = arith.constant 0 : i32
      %dma_start3A_121 = tpu.memref_slice %arg6[%rem3A_64, %dma_start3A_119, %add3A_111, %dma_start3A_120] : memref<2x2x16x128xi32, #tpu.memory_space<vmem>> -> memref<1x1x1x128xi32, #tpu.memory_space<vmem>>
      %dma_start3A_122 = tpu.memref_squeeze %dma_start3A_121 : memref<1x1x1x128xi32, #tpu.memory_space<vmem>> -> memref<128xi32, #tpu.memory_space<vmem>>
      %dma_start3A_123 = arith.constant 0 : i32
      %dma_start3A_124 = arith.constant 0 : i32
      %dma_start3A_125 = tpu.memref_slice %arg9[%dma_start3A_123, %dma_start3A_124] : memref<10240x128xf32, #tpu.memory_space<vmem_shared>> -> memref<10240x128xf32, #tpu.memory_space<vmem_shared>>
      tpu.enqueue_indirect_dma source(%arg8 : memref<128x128xf32, #tpu.memory_space<vmem>>) target(%dma_start3A_125 : memref<10240x128xf32, #tpu.memory_space<vmem_shared>>) offsets(%dma_start3A_122 : memref<128xi32, #tpu.memory_space<vmem>>) semaphore(%arg13 : memref<!tpu.dma_semaphore, #tpu.memory_space<semaphore_mem>>) {add = true}
      %add3A_126 = arith.constant 2 : i32
      %add3A_127 = arith.addi %add3A_107, %add3A_126 : i32
      %sub3A_128 = arith.constant 1 : i32
      %sub3A_129 = arith.subi %add3A_127, %sub3A_128 : i32
      %ge3A_130 = arith.constant 1 : i32
      %ge3A_131 = arith.cmpi sge, %add3A_107, %ge3A_130 : i32
      %lt3A_132 = arith.constant 160 : i32
      %lt3A_133 = arith.cmpi slt, %sub3A_129, %lt3A_132 : i32
      %and3A_134 = arith.andi %ge3A_131, %lt3A_133 : i1
      %convert_element_type3A_135 = arith.extui %and3A_134 : i1 to i32
      %cond3A_136 = arith.constant 0 : i32
      %cond3A_137 = arith.cmpi ne, %convert_element_type3A_135, %cond3A_136 : i32
      scf.if %cond3A_137 {
        %dma_wait3A_148 = arith.constant 1 : i32
        %dma_wait3A_149 = arith.constant 0 : i32
        %dma_wait3A_150 = tpu.memref_slice %arg6[%rem3A_64, %dma_wait3A_148, %add3A_111, %dma_wait3A_149] : memref<2x2x16x128xi32, #tpu.memory_space<vmem>> -> memref<1x1x1x128xi32, #tpu.memory_space<vmem>>
        %dma_wait3A_151 = tpu.memref_squeeze %dma_wait3A_150 : memref<1x1x1x128xi32, #tpu.memory_space<vmem>> -> memref<128xi32, #tpu.memory_space<vmem>>
        %dma_wait3A_152 = arith.constant 0 : i32
        %dma_wait3A_153 = arith.constant 0 : i32
        %dma_wait3A_154 = tpu.memref_slice %arg9[%dma_wait3A_152, %dma_wait3A_153] : memref<10240x128xf32, #tpu.memory_space<vmem_shared>> -> memref<10240x128xf32, #tpu.memory_space<vmem_shared>>
        tpu.wait_indirect_dma semaphore(%arg12 : memref<!tpu.dma_semaphore, #tpu.memory_space<semaphore_mem>>) src(%arg7 : memref<128x128xf32, #tpu.memory_space<vmem>>) dst(%dma_wait3A_154 : memref<10240x128xf32, #tpu.memory_space<vmem_shared>>)
        %jit3A_155 = arith.constant 16 : i32
        %div3A_156 = arith.divsi %sub3A_129, %jit3A_155 : i32
        %sign3A_157 = arith.constant 0 : i32
        %sign3A_158 = arith.cmpi sgt, %sub3A_129, %sign3A_157 : i32
        %sign3A_159 = arith.extui %sign3A_158 : i1 to i32
        %sign3A_160 = arith.constant 0 : i32
        %sign3A_161 = arith.cmpi slt, %sub3A_129, %sign3A_160 : i32
        %sign3A_162 = arith.extui %sign3A_161 : i1 to i32
        %sign3A_163 = arith.subi %sign3A_159, %sign3A_162 : i32
        %sign3A_164 = arith.constant 0 : i32
        %sign3A_165 = arith.cmpi sgt, %jit3A_155, %sign3A_164 : i32
        %sign3A_166 = arith.extui %sign3A_165 : i1 to i32
        %sign3A_167 = arith.constant 0 : i32
        %sign3A_168 = arith.cmpi slt, %jit3A_155, %sign3A_167 : i32
        %sign3A_169 = arith.extui %sign3A_168 : i1 to i32
        %sign3A_170 = arith.subi %sign3A_166, %sign3A_169 : i32
        %ne3A_171 = arith.cmpi ne, %sign3A_163, %sign3A_170 : i32
        %rem3A_172 = arith.remsi %sub3A_129, %jit3A_155 : i32
        %ne3A_173 = arith.constant 0 : i32
        %ne3A_174 = arith.cmpi ne, %rem3A_172, %ne3A_173 : i32
        %and3A_175 = arith.andi %ne3A_171, %ne3A_174 : i1
        %sub3A_176 = arith.constant 1 : i32
        %sub3A_177 = arith.subi %div3A_156, %sub3A_176 : i32
        %select_n3A_178 = arith.select %and3A_175, %sub3A_177, %div3A_156 : i32
        %mul3A_179 = arith.constant 16 : i32
        %mul3A_180 = arith.muli %select_n3A_178, %mul3A_179 : i32
        %sub3A_181 = arith.subi %sub3A_129, %mul3A_180 : i32
        %rem3A_182 = arith.constant 2 : i32
        %rem3A_183 = arith.remsi %select_n3A_178, %rem3A_182 : i32
        %dma_start3A_184 = arith.constant 0 : i32
        %dma_start3A_185 = arith.constant 0 : i32
        %dma_start3A_186 = tpu.memref_slice %arg6[%rem3A_183, %dma_start3A_184, %sub3A_181, %dma_start3A_185] : memref<2x2x16x128xi32, #tpu.memory_space<vmem>> -> memref<1x1x1x128xi32, #tpu.memory_space<vmem>>
        %dma_start3A_187 = tpu.memref_squeeze %dma_start3A_186 : memref<1x1x1x128xi32, #tpu.memory_space<vmem>> -> memref<128xi32, #tpu.memory_space<vmem>>
        %dma_start3A_188 = arith.constant 0 : i32
        %dma_start3A_189 = arith.constant 0 : i32
        %dma_start3A_190 = tpu.memref_slice %arg2[%dma_start3A_188, %dma_start3A_189] : memref<20480x128xf32, #tpu.memory_space<hbm>> -> memref<20480x128xf32, #tpu.memory_space<hbm>>
        tpu.enqueue_indirect_dma source(%dma_start3A_190 : memref<20480x128xf32, #tpu.memory_space<hbm>>) target(%arg7 : memref<128x128xf32, #tpu.memory_space<vmem>>) offsets(%dma_start3A_187 : memref<128xi32, #tpu.memory_space<vmem>>) semaphore(%arg10 : memref<!tpu.dma_semaphore, #tpu.memory_space<semaphore_mem>>)
      } else {
      }
      %eq3A_138 = arith.constant 0 : i32
      %eq3A_139 = arith.cmpi eq, %rem3A_62, %eq3A_138 : i32
      %add3A_140 = arith.constant 1 : i32
      %add3A_141 = arith.addi %select_n3A, %add3A_140 : i32
      %lt3A_142 = arith.constant 10 : i32
      %lt3A_143 = arith.cmpi slt, %add3A_141, %lt3A_142 : i32
      %and3A_144 = arith.andi %eq3A_139, %lt3A_143 : i1
      %convert_element_type3A_145 = arith.extui %and3A_144 : i1 to i32
      %cond3A_146 = arith.constant 0 : i32
      %cond3A_147 = arith.cmpi ne, %convert_element_type3A_145, %cond3A_146 : i32
      scf.if %cond3A_147 {
        %add3A_148 = arith.constant 1 : i32
        %add3A_149 = arith.addi %select_n3A, %add3A_148 : i32
        %sub3A_150 = arith.constant 1 : i32
        %sub3A_151 = arith.subi %sub3A_150, %rem3A_64 : i32
        %dma_start3A_152 = arith.constant 0 : i32
        %dma_start3A_153 = arith.constant 0 : i32
        %dma_start3A_154 = arith.constant 0 : i32
        %dma_start3A_155 = tpu.memref_slice %arg6[%sub3A_151, %dma_start3A_152, %dma_start3A_153, %dma_start3A_154] : memref<2x2x16x128xi32, #tpu.memory_space<vmem>> -> memref<1x2x16x128xi32, #tpu.memory_space<vmem>>
        %dma_start3A_156 = tpu.memref_squeeze %dma_start3A_155 : memref<1x2x16x128xi32, #tpu.memory_space<vmem>> -> memref<2x16x128xi32, #tpu.memory_space<vmem>>
        %dma_start3A_157 = arith.constant 0 : i32
        %dma_start3A_158 = arith.constant 0 : i32
        %dma_start3A_159 = arith.constant 0 : i32
        %dma_start3A_160 = tpu.memref_slice %arg3[%arg0, %arg1, %add3A_149, %dma_start3A_157, %dma_start3A_158, %dma_start3A_159] : memref<2x16x10x2x16x128xi32, #tpu.memory_space<hbm>> -> memref<1x1x1x2x16x128xi32, #tpu.memory_space<hbm>>
        %dma_start3A_161 = tpu.memref_squeeze %dma_start3A_160 : memref<1x1x1x2x16x128xi32, #tpu.memory_space<hbm>> -> memref<2x16x128xi32, #tpu.memory_space<hbm>>
        %dma_start3A_162 = arith.constant 0 : i32
        %dma_start3A_163 = arith.constant 0 : i32
        %dma_start3A_164 = arith.constant 0 : i32
        %dma_start3A_165 = tpu.memref_slice %arg6[%sub3A_151, %dma_start3A_162, %dma_start3A_163, %dma_start3A_164] : memref<2x2x16x128xi32, #tpu.memory_space<vmem>> -> memref<1x2x16x128xi32, #tpu.memory_space<vmem>>
        %dma_start3A_166 = tpu.memref_squeeze %dma_start3A_165 : memref<1x2x16x128xi32, #tpu.memory_space<vmem>> -> memref<2x16x128xi32, #tpu.memory_space<vmem>>
        %dma_start3A_167 = arith.constant 0 : i32
        %dma_start3A_168 = arith.constant 0 : i32
        %dma_start3A_169 = arith.constant 0 : i32
        %dma_start3A_170 = tpu.memref_slice %arg3[%arg0, %arg1, %add3A_149, %dma_start3A_167, %dma_start3A_168, %dma_start3A_169] : memref<2x16x10x2x16x128xi32, #tpu.memory_space<hbm>> -> memref<1x1x1x2x16x128xi32, #tpu.memory_space<hbm>>
        %dma_start3A_171 = tpu.memref_squeeze %dma_start3A_170 : memref<1x1x1x2x16x128xi32, #tpu.memory_space<hbm>> -> memref<2x16x128xi32, #tpu.memory_space<hbm>>
        tpu.enqueue_dma source(%dma_start3A_171 : memref<2x16x128xi32, #tpu.memory_space<hbm>>) target(%dma_start3A_166 : memref<2x16x128xi32, #tpu.memory_space<vmem>>) target_semaphore(%arg14 : memref<!tpu.dma_semaphore, #tpu.memory_space<semaphore_mem>>)
      } else {
      }
    }
    %scan3A_23 = arith.constant 80 : i32
    %dma_wait3A = arith.constant 0 : i32
    %dma_wait3A_24 = arith.constant 1 : i32
    %dma_wait3A_25 = arith.constant 0 : i32
    %dma_wait3A_26 = arith.constant 0 : i32
    %dma_wait3A_27 = tpu.memref_slice %arg6[%dma_wait3A, %dma_wait3A_24, %dma_wait3A_25, %dma_wait3A_26] : memref<2x2x16x128xi32, #tpu.memory_space<vmem>> -> memref<1x1x1x128xi32, #tpu.memory_space<vmem>>
    %dma_wait3A_28 = tpu.memref_squeeze %dma_wait3A_27 : memref<1x1x1x128xi32, #tpu.memory_space<vmem>> -> memref<128xi32, #tpu.memory_space<vmem>>
    %dma_wait3A_29 = arith.constant 0 : i32
    %dma_wait3A_30 = arith.constant 0 : i32
    %dma_wait3A_31 = tpu.memref_slice %arg9[%dma_wait3A_29, %dma_wait3A_30] : memref<10240x128xf32, #tpu.memory_space<vmem_shared>> -> memref<10240x128xf32, #tpu.memory_space<vmem_shared>>
    tpu.wait_indirect_dma semaphore(%arg12 : memref<!tpu.dma_semaphore, #tpu.memory_space<semaphore_mem>>) src(%arg7 : memref<128x128xf32, #tpu.memory_space<vmem>>) dst(%dma_wait3A_31 : memref<10240x128xf32, #tpu.memory_space<vmem_shared>>)
    %dma_wait3A_32 = arith.constant 0 : i32
    %dma_wait3A_33 = arith.constant 1 : i32
    %dma_wait3A_34 = arith.constant 0 : i32
    %dma_wait3A_35 = arith.constant 0 : i32
    %dma_wait3A_36 = tpu.memref_slice %arg6[%dma_wait3A_32, %dma_wait3A_33, %dma_wait3A_34, %dma_wait3A_35] : memref<2x2x16x128xi32, #tpu.memory_space<vmem>> -> memref<1x1x1x128xi32, #tpu.memory_space<vmem>>
    %dma_wait3A_37 = tpu.memref_squeeze %dma_wait3A_36 : memref<1x1x1x128xi32, #tpu.memory_space<vmem>> -> memref<128xi32, #tpu.memory_space<vmem>>
    %dma_wait3A_38 = arith.constant 0 : i32
    %dma_wait3A_39 = arith.constant 0 : i32
    %dma_wait3A_40 = tpu.memref_slice %arg9[%dma_wait3A_38, %dma_wait3A_39] : memref<10240x128xf32, #tpu.memory_space<vmem_shared>> -> memref<10240x128xf32, #tpu.memory_space<vmem_shared>>
    tpu.wait_indirect_dma semaphore(%arg13 : memref<!tpu.dma_semaphore, #tpu.memory_space<semaphore_mem>>) src(%arg8 : memref<128x128xf32, #tpu.memory_space<vmem>>) dst(%dma_wait3A_40 : memref<10240x128xf32, #tpu.memory_space<vmem_shared>>)
    %barrier3A_41 = arith.constant 0 : index
    tpu.barrier barrier_id(%barrier3A_41)
    %mul3A_42 = arith.constant 10240 : i32
    %mul3A_43 = arith.muli %arg0, %mul3A_42 : i32
    %add3A = arith.addi %mul3A_43, %mul3A_0 : i32
    "tpu.region"() ({
      %run_scoped3A_44 = tpu.sem_alloc : memref<!tpu.dma_semaphore, #tpu.memory_space<semaphore_mem>>
      %dma_start3A_45 = arith.constant 0 : i32
      %dma_start3A_46 = tpu.memref_slice %arg5[%add3A, %dma_start3A_45] : memref<20480x128xf32, #tpu.memory_space<hbm>> -> memref<640x128xf32, #tpu.memory_space<hbm>>
      %dma_start3A_47 = arith.constant 0 : i32
      %dma_start3A_48 = tpu.memref_slice %arg9[%mul3A_0, %dma_start3A_47] : memref<10240x128xf32, #tpu.memory_space<vmem_shared>> -> memref<640x128xf32, #tpu.memory_space<vmem_shared>>
      tpu.enqueue_dma source(%dma_start3A_48 : memref<640x128xf32, #tpu.memory_space<vmem_shared>>) target(%dma_start3A_46 : memref<640x128xf32, #tpu.memory_space<hbm>>) target_semaphore(%run_scoped3A_44 : memref<!tpu.dma_semaphore, #tpu.memory_space<semaphore_mem>>)
      %dma_wait3A_49 = arith.constant 0 : i32
      %dma_wait3A_50 = tpu.memref_slice %arg5[%add3A, %dma_wait3A_49] : memref<20480x128xf32, #tpu.memory_space<hbm>> -> memref<640x128xf32, #tpu.memory_space<hbm>>
      %dma_wait3A_51 = arith.constant 0 : i32
      %dma_wait3A_52 = tpu.memref_slice %arg9[%mul3A_0, %dma_wait3A_51] : memref<10240x128xf32, #tpu.memory_space<vmem_shared>> -> memref<640x128xf32, #tpu.memory_space<vmem_shared>>
      tpu.wait_dma2 semaphore(%run_scoped3A_44 : memref<!tpu.dma_semaphore, #tpu.memory_space<semaphore_mem>>) src(%dma_wait3A_52 : memref<640x128xf32, #tpu.memory_space<vmem_shared>>) dst(%dma_wait3A_50 : memref<640x128xf32, #tpu.memory_space<hbm>>)
      tpu.yield
    }) : () -> ()
    return
  }
}

#map = affine_map<(d0, d1) -> (0, 0)>
#map1 = affine_map<(d0, d1) -> (0, 0, 0, 0, 0, 0)>
module attributes {stable_mosaic.version = 14 : i64} {
  func.func @k(%arg0: i32, %arg1: i32, %arg2: memref<20480x128xf32, #tpu.memory_space<hbm>>, %arg3: memref<2x16x10x2x16x128xi32, #tpu.memory_space<hbm>>, %arg4: memref<10240x128xf32, #tpu.memory_space<hbm>>, %arg5: memref<20480x128xf32, #tpu.memory_space<hbm>>, %arg6: memref<2x2x16x128xi32, #tpu.memory_space<vmem>>, %arg7: memref<128x128xf32, #tpu.memory_space<vmem>>, %arg8: memref<128x128xf32, #tpu.memory_space<vmem>>, %arg9: memref<10240x128xf32, #tpu.memory_space<vmem_shared>>, %arg10: memref<!tpu.dma_semaphore, #tpu.memory_space<semaphore_mem>>, %arg11: memref<!tpu.dma_semaphore, #tpu.memory_space<semaphore_mem>>, %arg12: memref<!tpu.dma_semaphore, #tpu.memory_space<semaphore_mem>>, %arg13: memref<!tpu.dma_semaphore, #tpu.memory_space<semaphore_mem>>, %arg14: memref<!tpu.dma_semaphore, #tpu.memory_space<semaphore_mem>>) attributes {dimension_semantics = [#tpu.dimension_semantics<core_parallel>, #tpu.dimension_semantics<subcore_parallel>], iteration_bounds = array<i64: 2, 16>, scalar_prefetch = 0 : i64, scratch_operands = 9 : i64, tpu.core_type = #tpu.core_type<sc_vector_subcore>, window_params = [{transform_indices = #map}, {transform_indices = #map1}, {transform_indices = #map}, {transform_indices = #map}]} {
    %mul3A = arith.constant 640 : i32
    %mul3A_0 = arith.muli %arg1, %mul3A : i32
    "tpu.region"() ({
      %run_scoped3A_44 = tpu.sem_alloc : memref<!tpu.dma_semaphore, #tpu.memory_space<semaphore_mem>>
      %dma_start3A_45 = arith.constant 0 : i32
      %dma_start3A_46 = tpu.memref_slice %arg9[%mul3A_0, %dma_start3A_45] : memref<10240x128xf32, #tpu.memory_space<vmem_shared>> -> memref<640x128xf32, #tpu.memory_space<vmem_shared>>
      %dma_start3A_47 = arith.constant 0 : i32
      %dma_start3A_48 = tpu.memref_slice %arg4[%mul3A_0, %dma_start3A_47] : memref<10240x128xf32, #tpu.memory_space<hbm>> -> memref<640x128xf32, #tpu.memory_space<hbm>>
      tpu.enqueue_dma source(%dma_start3A_48 : memref<640x128xf32, #tpu.memory_space<hbm>>) target(%dma_start3A_46 : memref<640x128xf32, #tpu.memory_space<vmem_shared>>) target_semaphore(%run_scoped3A_44 : memref<!tpu.dma_semaphore, #tpu.memory_space<semaphore_mem>>)
      %dma_wait3A_49 = arith.constant 0 : i32
      %dma_wait3A_50 = tpu.memref_slice %arg9[%mul3A_0, %dma_wait3A_49] : memref<10240x128xf32, #tpu.memory_space<vmem_shared>> -> memref<640x128xf32, #tpu.memory_space<vmem_shared>>
      %dma_wait3A_51 = arith.constant 0 : i32
      %dma_wait3A_52 = tpu.memref_slice %arg4[%mul3A_0, %dma_wait3A_51] : memref<10240x128xf32, #tpu.memory_space<hbm>> -> memref<640x128xf32, #tpu.memory_space<hbm>>
      tpu.wait_dma2 semaphore(%run_scoped3A_44 : memref<!tpu.dma_semaphore, #tpu.memory_space<semaphore_mem>>) src(%dma_wait3A_52 : memref<640x128xf32, #tpu.memory_space<hbm>>) dst(%dma_wait3A_50 : memref<640x128xf32, #tpu.memory_space<vmem_shared>>)
      tpu.yield
    }) : () -> ()
    %run_scoped3A = arith.constant 0 : i32
    %run_scoped3A_1 = arith.constant 0 : i32
    "tpu.region"() ({
      %run_scoped3A_44 = tpu.sem_alloc : memref<!tpu.dma_semaphore, #tpu.memory_space<semaphore_mem>>
      %dma_start3A_45 = arith.constant 0 : i32
      %dma_start3A_46 = arith.constant 0 : i32
      %dma_start3A_47 = arith.constant 0 : i32
      %dma_start3A_48 = tpu.memref_slice %arg6[%run_scoped3A_1, %dma_start3A_45, %dma_start3A_46, %dma_start3A_47] : memref<2x2x16x128xi32, #tpu.memory_space<vmem>> -> memref<1x2x16x128xi32, #tpu.memory_space<vmem>>
      %dma_start3A_49 = tpu.memref_squeeze %dma_start3A_48 : memref<1x2x16x128xi32, #tpu.memory_space<vmem>> -> memref<2x16x128xi32, #tpu.memory_space<vmem>>
      %dma_start3A_50 = arith.constant 0 : i32
      %dma_start3A_51 = arith.constant 0 : i32
      %dma_start3A_52 = arith.constant 0 : i32
      %dma_start3A_53 = tpu.memref_slice %arg3[%arg0, %arg1, %run_scoped3A, %dma_start3A_50, %dma_start3A_51, %dma_start3A_52] : memref<2x16x10x2x16x128xi32, #tpu.memory_space<hbm>> -> memref<1x1x1x2x16x128xi32, #tpu.memory_space<hbm>>
      %dma_start3A_54 = tpu.memref_squeeze %dma_start3A_53 : memref<1x1x1x2x16x128xi32, #tpu.memory_space<hbm>> -> memref<2x16x128xi32, #tpu.memory_space<hbm>>
      %dma_start3A_55 = arith.constant 0 : i32
      %dma_start3A_56 = arith.constant 0 : i32
      %dma_start3A_57 = arith.constant 0 : i32
      %dma_start3A_58 = tpu.memref_slice %arg6[%run_scoped3A_1, %dma_start3A_55, %dma_start3A_56, %dma_start3A_57] : memref<2x2x16x128xi32, #tpu.memory_space<vmem>> -> memref<1x2x16x128xi32, #tpu.memory_space<vmem>>
      %dma_start3A_59 = tpu.memref_squeeze %dma_start3A_58 : memref<1x2x16x128xi32, #tpu.memory_space<vmem>> -> memref<2x16x128xi32, #tpu.memory_space<vmem>>
      %dma_start3A_60 = arith.constant 0 : i32
      %dma_start3A_61 = arith.constant 0 : i32
      %dma_start3A_62 = arith.constant 0 : i32
      %dma_start3A_63 = tpu.memref_slice %arg3[%arg0, %arg1, %run_scoped3A, %dma_start3A_60, %dma_start3A_61, %dma_start3A_62] : memref<2x16x10x2x16x128xi32, #tpu.memory_space<hbm>> -> memref<1x1x1x2x16x128xi32, #tpu.memory_space<hbm>>
      %dma_start3A_64 = tpu.memref_squeeze %dma_start3A_63 : memref<1x1x1x2x16x128xi32, #tpu.memory_space<hbm>> -> memref<2x16x128xi32, #tpu.memory_space<hbm>>
      tpu.enqueue_dma source(%dma_start3A_64 : memref<2x16x128xi32, #tpu.memory_space<hbm>>) target(%dma_start3A_59 : memref<2x16x128xi32, #tpu.memory_space<vmem>>) target_semaphore(%run_scoped3A_44 : memref<!tpu.dma_semaphore, #tpu.memory_space<semaphore_mem>>)
      %dma_wait3A_65 = arith.constant 0 : i32
      %dma_wait3A_66 = arith.constant 0 : i32
      %dma_wait3A_67 = arith.constant 0 : i32
      %dma_wait3A_68 = tpu.memref_slice %arg6[%run_scoped3A_1, %dma_wait3A_65, %dma_wait3A_66, %dma_wait3A_67] : memref<2x2x16x128xi32, #tpu.memory_space<vmem>> -> memref<1x2x16x128xi32, #tpu.memory_space<vmem>>
      %dma_wait3A_69 = tpu.memref_squeeze %dma_wait3A_68 : memref<1x2x16x128xi32, #tpu.memory_space<vmem>> -> memref<2x16x128xi32, #tpu.memory_space<vmem>>
      %dma_wait3A_70 = arith.constant 0 : i32
      %dma_wait3A_71 = arith.constant 0 : i32
      %dma_wait3A_72 = arith.constant 0 : i32
      %dma_wait3A_73 = tpu.memref_slice %arg3[%arg0, %arg1, %run_scoped3A, %dma_wait3A_70, %dma_wait3A_71, %dma_wait3A_72] : memref<2x16x10x2x16x128xi32, #tpu.memory_space<hbm>> -> memref<1x1x1x2x16x128xi32, #tpu.memory_space<hbm>>
      %dma_wait3A_74 = tpu.memref_squeeze %dma_wait3A_73 : memref<1x1x1x2x16x128xi32, #tpu.memory_space<hbm>> -> memref<2x16x128xi32, #tpu.memory_space<hbm>>
      %dma_wait3A_75 = arith.constant 0 : i32
      %dma_wait3A_76 = arith.constant 0 : i32
      %dma_wait3A_77 = arith.constant 0 : i32
      %dma_wait3A_78 = tpu.memref_slice %arg6[%run_scoped3A_1, %dma_wait3A_75, %dma_wait3A_76, %dma_wait3A_77] : memref<2x2x16x128xi32, #tpu.memory_space<vmem>> -> memref<1x2x16x128xi32, #tpu.memory_space<vmem>>
      %dma_wait3A_79 = tpu.memref_squeeze %dma_wait3A_78 : memref<1x2x16x128xi32, #tpu.memory_space<vmem>> -> memref<2x16x128xi32, #tpu.memory_space<vmem>>
      %dma_wait3A_80 = arith.constant 0 : i32
      %dma_wait3A_81 = arith.constant 0 : i32
      %dma_wait3A_82 = arith.constant 0 : i32
      %dma_wait3A_83 = tpu.memref_slice %arg3[%arg0, %arg1, %run_scoped3A, %dma_wait3A_80, %dma_wait3A_81, %dma_wait3A_82] : memref<2x16x10x2x16x128xi32, #tpu.memory_space<hbm>> -> memref<1x1x1x2x16x128xi32, #tpu.memory_space<hbm>>
      %dma_wait3A_84 = tpu.memref_squeeze %dma_wait3A_83 : memref<1x1x1x2x16x128xi32, #tpu.memory_space<hbm>> -> memref<2x16x128xi32, #tpu.memory_space<hbm>>
      tpu.wait_dma2 semaphore(%run_scoped3A_44 : memref<!tpu.dma_semaphore, #tpu.memory_space<semaphore_mem>>) src(%dma_wait3A_84 : memref<2x16x128xi32, #tpu.memory_space<hbm>>) dst(%dma_wait3A_79 : memref<2x16x128xi32, #tpu.memory_space<vmem>>)
      tpu.yield
    }) : () -> ()
    %barrier3A = arith.constant 0 : index
    tpu.barrier barrier_id(%barrier3A)
    %dma_start3A = arith.constant 0 : i32
    %dma_start3A_2 = arith.constant 0 : i32
    %dma_start3A_3 = arith.constant 0 : i32
    %dma_start3A_4 = arith.constant 0 : i32
    %dma_start3A_5 = tpu.memref_slice %arg6[%dma_start3A, %dma_start3A_2, %dma_start3A_3, %dma_start3A_4] : memref<2x2x16x128xi32, #tpu.memory_space<vmem>> -> memref<1x1x1x128xi32, #tpu.memory_space<vmem>>
    %dma_start3A_6 = tpu.memref_squeeze %dma_start3A_5 : memref<1x1x1x128xi32, #tpu.memory_space<vmem>> -> memref<128xi32, #tpu.memory_space<vmem>>
    %dma_start3A_7 = arith.constant 0 : i32
    %dma_start3A_8 = arith.constant 0 : i32
    %dma_start3A_9 = tpu.memref_slice %arg2[%dma_start3A_7, %dma_start3A_8] : memref<20480x128xf32, #tpu.memory_space<hbm>> -> memref<20480x128xf32, #tpu.memory_space<hbm>>
    tpu.enqueue_indirect_dma source(%dma_start3A_9 : memref<20480x128xf32, #tpu.memory_space<hbm>>) target(%arg7 : memref<128x128xf32, #tpu.memory_space<vmem>>) offsets(%dma_start3A_6 : memref<128xi32, #tpu.memory_space<vmem>>) semaphore(%arg10 : memref<!tpu.dma_semaphore, #tpu.memory_space<semaphore_mem>>)
    %dma_start3A_10 = arith.constant 0 : i32
    %dma_start3A_11 = arith.constant 0 : i32
    %dma_start3A_12 = arith.constant 1 : i32
    %dma_start3A_13 = arith.constant 0 : i32
    %dma_start3A_14 = tpu.memref_slice %arg6[%dma_start3A_10, %dma_start3A_11, %dma_start3A_12, %dma_start3A_13] : memref<2x2x16x128xi32, #tpu.memory_space<vmem>> -> memref<1x1x1x128xi32, #tpu.memory_space<vmem>>
    %dma_start3A_15 = tpu.memref_squeeze %dma_start3A_14 : memref<1x1x1x128xi32, #tpu.memory_space<vmem>> -> memref<128xi32, #tpu.memory_space<vmem>>
    %dma_start3A_16 = arith.constant 0 : i32
    %dma_start3A_17 = arith.constant 0 : i32
    %dma_start3A_18 = tpu.memref_slice %arg2[%dma_start3A_16, %dma_start3A_17] : memref<20480x128xf32, #tpu.memory_space<hbm>> -> memref<20480x128xf32, #tpu.memory_space<hbm>>
    tpu.enqueue_indirect_dma source(%dma_start3A_18 : memref<20480x128xf32, #tpu.memory_space<hbm>>) target(%arg8 : memref<128x128xf32, #tpu.memory_space<vmem>>) offsets(%dma_start3A_15 : memref<128xi32, #tpu.memory_space<vmem>>) semaphore(%arg11 : memref<!tpu.dma_semaphore, #tpu.memory_space<semaphore_mem>>)
    %scan3A = arith.constant 0 : i32
    %scan3A_19 = arith.constant 0 : i32
    %scan3A_20 = arith.constant 80 : i32
    %scan3A_21 = arith.addi %scan3A_19, %scan3A_20 : i32
    %scan3A_22 = arith.constant 1 : i32
    scf.for %scan3A_44 = %scan3A_19 to %scan3A_21 step %scan3A_22  : i32 {
      %jit3A = arith.constant 8 : i32
      %div3A = arith.divsi %scan3A_44, %jit3A : i32
      %sign3A = arith.constant 0 : i32
      %sign3A_45 = arith.cmpi sgt, %scan3A_44, %sign3A : i32
      %sign3A_46 = arith.extui %sign3A_45 : i1 to i32
      %sign3A_47 = arith.constant 0 : i32
      %sign3A_48 = arith.cmpi slt, %scan3A_44, %sign3A_47 : i32
      %sign3A_49 = arith.extui %sign3A_48 : i1 to i32
      %sign3A_50 = arith.subi %sign3A_46, %sign3A_49 : i32
      %sign3A_51 = arith.constant 0 : i32
      %sign3A_52 = arith.cmpi sgt, %jit3A, %sign3A_51 : i32
      %sign3A_53 = arith.extui %sign3A_52 : i1 to i32
      %sign3A_54 = arith.constant 0 : i32
      %sign3A_55 = arith.cmpi slt, %jit3A, %sign3A_54 : i32
      %sign3A_56 = arith.extui %sign3A_55 : i1 to i32
      %sign3A_57 = arith.subi %sign3A_53, %sign3A_56 : i32
      %ne3A = arith.cmpi ne, %sign3A_50, %sign3A_57 : i32
      %rem3A = arith.remsi %scan3A_44, %jit3A : i32
      %ne3A_58 = arith.constant 0 : i32
      %ne3A_59 = arith.cmpi ne, %rem3A, %ne3A_58 : i32
      %and3A = arith.andi %ne3A, %ne3A_59 : i1
      %sub3A = arith.constant 1 : i32
      %sub3A_60 = arith.subi %div3A, %sub3A : i32
      %select_n3A = arith.select %and3A, %sub3A_60, %div3A : i32
      %rem3A_61 = arith.constant 8 : i32
      %rem3A_62 = arith.remsi %scan3A_44, %rem3A_61 : i32
      %rem3A_63 = arith.constant 2 : i32
      %rem3A_64 = arith.remsi %select_n3A, %rem3A_63 : i32
      %eq3A = arith.constant 7 : i32
      %eq3A_65 = arith.cmpi eq, %rem3A_62, %eq3A : i32
      %add3A_66 = arith.constant 1 : i32
      %add3A_67 = arith.addi %select_n3A, %add3A_66 : i32
      %lt3A = arith.constant 10 : i32
      %lt3A_68 = arith.cmpi slt, %add3A_67, %lt3A : i32
      %and3A_69 = arith.andi %eq3A_65, %lt3A_68 : i1
      %convert_element_type3A = arith.extui %and3A_69 : i1 to i32
      %cond3A = arith.constant 0 : i32
      %cond3A_70 = arith.cmpi ne, %convert_element_type3A, %cond3A : i32
      scf.if %cond3A_70 {
        %add3A_148 = arith.constant 1 : i32
        %add3A_149 = arith.addi %select_n3A, %add3A_148 : i32
        %sub3A_150 = arith.constant 1 : i32
        %sub3A_151 = arith.subi %sub3A_150, %rem3A_64 : i32
        %dma_wait3A_152 = arith.constant 0 : i32
        %dma_wait3A_153 = arith.constant 0 : i32
        %dma_wait3A_154 = arith.constant 0 : i32
        %dma_wait3A_155 = tpu.memref_slice %arg6[%sub3A_151, %dma_wait3A_152, %dma_wait3A_153, %dma_wait3A_154] : memref<2x2x16x128xi32, #tpu.memory_space<vmem>> -> memref<1x2x16x128xi32, #tpu.memory_space<vmem>>
        %dma_wait3A_156 = tpu.memref_squeeze %dma_wait3A_155 : memref<1x2x16x128xi32, #tpu.memory_space<vmem>> -> memref<2x16x128xi32, #tpu.memory_space<vmem>>
        %dma_wait3A_157 = arith.constant 0 : i32
        %dma_wait3A_158 = arith.constant 0 : i32
        %dma_wait3A_159 = arith.constant 0 : i32
        %dma_wait3A_160 = tpu.memref_slice %arg3[%arg0, %arg1, %add3A_149, %dma_wait3A_157, %dma_wait3A_158, %dma_wait3A_159] : memref<2x16x10x2x16x128xi32, #tpu.memory_space<hbm>> -> memref<1x1x1x2x16x128xi32, #tpu.memory_space<hbm>>
        %dma_wait3A_161 = tpu.memref_squeeze %dma_wait3A_160 : memref<1x1x1x2x16x128xi32, #tpu.memory_space<hbm>> -> memref<2x16x128xi32, #tpu.memory_space<hbm>>
        %dma_wait3A_162 = arith.constant 0 : i32
        %dma_wait3A_163 = arith.constant 0 : i32
        %dma_wait3A_164 = arith.constant 0 : i32
        %dma_wait3A_165 = tpu.memref_slice %arg6[%sub3A_151, %dma_wait3A_162, %dma_wait3A_163, %dma_wait3A_164] : memref<2x2x16x128xi32, #tpu.memory_space<vmem>> -> memref<1x2x16x128xi32, #tpu.memory_space<vmem>>
        %dma_wait3A_166 = tpu.memref_squeeze %dma_wait3A_165 : memref<1x2x16x128xi32, #tpu.memory_space<vmem>> -> memref<2x16x128xi32, #tpu.memory_space<vmem>>
        %dma_wait3A_167 = arith.constant 0 : i32
        %dma_wait3A_168 = arith.constant 0 : i32
        %dma_wait3A_169 = arith.constant 0 : i32
        %dma_wait3A_170 = tpu.memref_slice %arg3[%arg0, %arg1, %add3A_149, %dma_wait3A_167, %dma_wait3A_168, %dma_wait3A_169] : memref<2x16x10x2x16x128xi32, #tpu.memory_space<hbm>> -> memref<1x1x1x2x16x128xi32, #tpu.memory_space<hbm>>
        %dma_wait3A_171 = tpu.memref_squeeze %dma_wait3A_170 : memref<1x1x1x2x16x128xi32, #tpu.memory_space<hbm>> -> memref<2x16x128xi32, #tpu.memory_space<hbm>>
        tpu.wait_dma2 semaphore(%arg14 : memref<!tpu.dma_semaphore, #tpu.memory_space<semaphore_mem>>) src(%dma_wait3A_171 : memref<2x16x128xi32, #tpu.memory_space<hbm>>) dst(%dma_wait3A_166 : memref<2x16x128xi32, #tpu.memory_space<vmem>>)
      } else {
      }
      %mul3A_71 = arith.constant 2 : i32
      %mul3A_72 = arith.muli %scan3A_44, %mul3A_71 : i32
      %add3A_73 = arith.constant 0 : i32
      %add3A_74 = arith.addi %mul3A_72, %add3A_73 : i32
      %mul3A_75 = arith.constant 2 : i32
      %mul3A_76 = arith.muli %rem3A_62, %mul3A_75 : i32
      %add3A_77 = arith.constant 0 : i32
      %add3A_78 = arith.addi %mul3A_76, %add3A_77 : i32
      %dma_wait3A_79 = arith.constant 0 : i32
      %dma_wait3A_80 = arith.constant 0 : i32
      %dma_wait3A_81 = tpu.memref_slice %arg6[%rem3A_64, %dma_wait3A_79, %add3A_78, %dma_wait3A_80] : memref<2x2x16x128xi32, #tpu.memory_space<vmem>> -> memref<1x1x1x128xi32, #tpu.memory_space<vmem>>
      %dma_wait3A_82 = tpu.memref_squeeze %dma_wait3A_81 : memref<1x1x1x128xi32, #tpu.memory_space<vmem>> -> memref<128xi32, #tpu.memory_space<vmem>>
      %dma_wait3A_83 = arith.constant 0 : i32
      %dma_wait3A_84 = arith.constant 0 : i32
      %dma_wait3A_85 = tpu.memref_slice %arg2[%dma_wait3A_83, %dma_wait3A_84] : memref<20480x128xf32, #tpu.memory_space<hbm>> -> memref<20480x128xf32, #tpu.memory_space<hbm>>
      tpu.wait_indirect_dma semaphore(%arg10 : memref<!tpu.dma_semaphore, #tpu.memory_space<semaphore_mem>>) src(%dma_wait3A_85 : memref<20480x128xf32, #tpu.memory_space<hbm>>) dst(%arg7 : memref<128x128xf32, #tpu.memory_space<vmem>>)
      %dma_start3A_86 = arith.constant 1 : i32
      %dma_start3A_87 = arith.constant 0 : i32
      %dma_start3A_88 = tpu.memref_slice %arg6[%rem3A_64, %dma_start3A_86, %add3A_78, %dma_start3A_87] : memref<2x2x16x128xi32, #tpu.memory_space<vmem>> -> memref<1x1x1x128xi32, #tpu.memory_space<vmem>>
      %dma_start3A_89 = tpu.memref_squeeze %dma_start3A_88 : memref<1x1x1x128xi32, #tpu.memory_space<vmem>> -> memref<128xi32, #tpu.memory_space<vmem>>
      %dma_start3A_90 = arith.constant 0 : i32
      %dma_start3A_91 = arith.constant 0 : i32
      %dma_start3A_92 = tpu.memref_slice %arg9[%dma_start3A_90, %dma_start3A_91] : memref<10240x128xf32, #tpu.memory_space<vmem_shared>> -> memref<10240x128xf32, #tpu.memory_space<vmem_shared>>
      tpu.enqueue_indirect_dma source(%arg7 : memref<128x128xf32, #tpu.memory_space<vmem>>) target(%dma_start3A_92 : memref<10240x128xf32, #tpu.memory_space<vmem_shared>>) offsets(%dma_start3A_89 : memref<128xi32, #tpu.memory_space<vmem>>) semaphore(%arg12 : memref<!tpu.dma_semaphore, #tpu.memory_space<semaphore_mem>>) {add = true}
      %add3A_93 = arith.constant 2 : i32
      %add3A_94 = arith.addi %add3A_74, %add3A_93 : i32
      %sub3A_95 = arith.constant 1 : i32
      %sub3A_96 = arith.subi %add3A_94, %sub3A_95 : i32
      %ge3A = arith.constant 1 : i32
      %ge3A_97 = arith.cmpi sge, %add3A_74, %ge3A : i32
      %lt3A_98 = arith.constant 160 : i32
      %lt3A_99 = arith.cmpi slt, %sub3A_96, %lt3A_98 : i32
      %and3A_100 = arith.andi %ge3A_97, %lt3A_99 : i1
      %convert_element_type3A_101 = arith.extui %and3A_100 : i1 to i32
      %cond3A_102 = arith.constant 0 : i32
      %cond3A_103 = arith.cmpi ne, %convert_element_type3A_101, %cond3A_102 : i32
      scf.if %cond3A_103 {
        %dma_wait3A_148 = arith.constant 1 : i32
        %dma_wait3A_149 = arith.constant 0 : i32
        %dma_wait3A_150 = tpu.memref_slice %arg6[%rem3A_64, %dma_wait3A_148, %add3A_78, %dma_wait3A_149] : memref<2x2x16x128xi32, #tpu.memory_space<vmem>> -> memref<1x1x1x128xi32, #tpu.memory_space<vmem>>
        %dma_wait3A_151 = tpu.memref_squeeze %dma_wait3A_150 : memref<1x1x1x128xi32, #tpu.memory_space<vmem>> -> memref<128xi32, #tpu.memory_space<vmem>>
        %dma_wait3A_152 = arith.constant 0 : i32
        %dma_wait3A_153 = arith.constant 0 : i32
        %dma_wait3A_154 = tpu.memref_slice %arg9[%dma_wait3A_152, %dma_wait3A_153] : memref<10240x128xf32, #tpu.memory_space<vmem_shared>> -> memref<10240x128xf32, #tpu.memory_space<vmem_shared>>
        tpu.wait_indirect_dma semaphore(%arg13 : memref<!tpu.dma_semaphore, #tpu.memory_space<semaphore_mem>>) src(%arg8 : memref<128x128xf32, #tpu.memory_space<vmem>>) dst(%dma_wait3A_154 : memref<10240x128xf32, #tpu.memory_space<vmem_shared>>)
        %jit3A_155 = arith.constant 16 : i32
        %div3A_156 = arith.divsi %sub3A_96, %jit3A_155 : i32
        %sign3A_157 = arith.constant 0 : i32
        %sign3A_158 = arith.cmpi sgt, %sub3A_96, %sign3A_157 : i32
        %sign3A_159 = arith.extui %sign3A_158 : i1 to i32
        %sign3A_160 = arith.constant 0 : i32
        %sign3A_161 = arith.cmpi slt, %sub3A_96, %sign3A_160 : i32
        %sign3A_162 = arith.extui %sign3A_161 : i1 to i32
        %sign3A_163 = arith.subi %sign3A_159, %sign3A_162 : i32
        %sign3A_164 = arith.constant 0 : i32
        %sign3A_165 = arith.cmpi sgt, %jit3A_155, %sign3A_164 : i32
        %sign3A_166 = arith.extui %sign3A_165 : i1 to i32
        %sign3A_167 = arith.constant 0 : i32
        %sign3A_168 = arith.cmpi slt, %jit3A_155, %sign3A_167 : i32
        %sign3A_169 = arith.extui %sign3A_168 : i1 to i32
        %sign3A_170 = arith.subi %sign3A_166, %sign3A_169 : i32
        %ne3A_171 = arith.cmpi ne, %sign3A_163, %sign3A_170 : i32
        %rem3A_172 = arith.remsi %sub3A_96, %jit3A_155 : i32
        %ne3A_173 = arith.constant 0 : i32
        %ne3A_174 = arith.cmpi ne, %rem3A_172, %ne3A_173 : i32
        %and3A_175 = arith.andi %ne3A_171, %ne3A_174 : i1
        %sub3A_176 = arith.constant 1 : i32
        %sub3A_177 = arith.subi %div3A_156, %sub3A_176 : i32
        %select_n3A_178 = arith.select %and3A_175, %sub3A_177, %div3A_156 : i32
        %mul3A_179 = arith.constant 16 : i32
        %mul3A_180 = arith.muli %select_n3A_178, %mul3A_179 : i32
        %sub3A_181 = arith.subi %sub3A_96, %mul3A_180 : i32
        %rem3A_182 = arith.constant 2 : i32
        %rem3A_183 = arith.remsi %select_n3A_178, %rem3A_182 : i32
        %dma_start3A_184 = arith.constant 0 : i32
        %dma_start3A_185 = arith.constant 0 : i32
        %dma_start3A_186 = tpu.memref_slice %arg6[%rem3A_183, %dma_start3A_184, %sub3A_181, %dma_start3A_185] : memref<2x2x16x128xi32, #tpu.memory_space<vmem>> -> memref<1x1x1x128xi32, #tpu.memory_space<vmem>>
        %dma_start3A_187 = tpu.memref_squeeze %dma_start3A_186 : memref<1x1x1x128xi32, #tpu.memory_space<vmem>> -> memref<128xi32, #tpu.memory_space<vmem>>
        %dma_start3A_188 = arith.constant 0 : i32
        %dma_start3A_189 = arith.constant 0 : i32
        %dma_start3A_190 = tpu.memref_slice %arg2[%dma_start3A_188, %dma_start3A_189] : memref<20480x128xf32, #tpu.memory_space<hbm>> -> memref<20480x128xf32, #tpu.memory_space<hbm>>
        tpu.enqueue_indirect_dma source(%dma_start3A_190 : memref<20480x128xf32, #tpu.memory_space<hbm>>) target(%arg8 : memref<128x128xf32, #tpu.memory_space<vmem>>) offsets(%dma_start3A_187 : memref<128xi32, #tpu.memory_space<vmem>>) semaphore(%arg11 : memref<!tpu.dma_semaphore, #tpu.memory_space<semaphore_mem>>)
      } else {
      }
      %mul3A_104 = arith.constant 2 : i32
      %mul3A_105 = arith.muli %scan3A_44, %mul3A_104 : i32
      %add3A_106 = arith.constant 1 : i32
      %add3A_107 = arith.addi %mul3A_105, %add3A_106 : i32
      %mul3A_108 = arith.constant 2 : i32
      %mul3A_109 = arith.muli %rem3A_62, %mul3A_108 : i32
      %add3A_110 = arith.constant 1 : i32
      %add3A_111 = arith.addi %mul3A_109, %add3A_110 : i32
      %dma_wait3A_112 = arith.constant 0 : i32
      %dma_wait3A_113 = arith.constant 0 : i32
      %dma_wait3A_114 = tpu.memref_slice %arg6[%rem3A_64, %dma_wait3A_112, %add3A_111, %dma_wait3A_113] : memref<2x2x16x128xi32, #tpu.memory_space<vmem>> -> memref<1x1x1x128xi32, #tpu.memory_space<vmem>>
      %dma_wait3A_115 = tpu.memref_squeeze %dma_wait3A_114 : memref<1x1x1x128xi32, #tpu.memory_space<vmem>> -> memref<128xi32, #tpu.memory_space<vmem>>
      %dma_wait3A_116 = arith.constant 0 : i32
      %dma_wait3A_117 = arith.constant 0 : i32
      %dma_wait3A_118 = tpu.memref_slice %arg2[%dma_wait3A_116, %dma_wait3A_117] : memref<20480x128xf32, #tpu.memory_space<hbm>> -> memref<20480x128xf32, #tpu.memory_space<hbm>>
      tpu.wait_indirect_dma semaphore(%arg11 : memref<!tpu.dma_semaphore, #tpu.memory_space<semaphore_mem>>) src(%dma_wait3A_118 : memref<20480x128xf32, #tpu.memory_space<hbm>>) dst(%arg8 : memref<128x128xf32, #tpu.memory_space<vmem>>)
      %dma_start3A_119 = arith.constant 1 : i32
      %dma_start3A_120 = arith.constant 0 : i32
      %dma_start3A_121 = tpu.memref_slice %arg6[%rem3A_64, %dma_start3A_119, %add3A_111, %dma_start3A_120] : memref<2x2x16x128xi32, #tpu.memory_space<vmem>> -> memref<1x1x1x128xi32, #tpu.memory_space<vmem>>
      %dma_start3A_122 = tpu.memref_squeeze %dma_start3A_121 : memref<1x1x1x128xi32, #tpu.memory_space<vmem>> -> memref<128xi32, #tpu.memory_space<vmem>>
      %dma_start3A_123 = arith.constant 0 : i32
      %dma_start3A_124 = arith.constant 0 : i32
      %dma_start3A_125 = tpu.memref_slice %arg9[%dma_start3A_123, %dma_start3A_124] : memref<10240x128xf32, #tpu.memory_space<vmem_shared>> -> memref<10240x128xf32, #tpu.memory_space<vmem_shared>>
      tpu.enqueue_indirect_dma source(%arg8 : memref<128x128xf32, #tpu.memory_space<vmem>>) target(%dma_start3A_125 : memref<10240x128xf32, #tpu.memory_space<vmem_shared>>) offsets(%dma_start3A_122 : memref<128xi32, #tpu.memory_space<vmem>>) semaphore(%arg13 : memref<!tpu.dma_semaphore, #tpu.memory_space<semaphore_mem>>) {add = true}
      %add3A_126 = arith.constant 2 : i32
      %add3A_127 = arith.addi %add3A_107, %add3A_126 : i32
      %sub3A_128 = arith.constant 1 : i32
      %sub3A_129 = arith.subi %add3A_127, %sub3A_128 : i32
      %ge3A_130 = arith.constant 1 : i32
      %ge3A_131 = arith.cmpi sge, %add3A_107, %ge3A_130 : i32
      %lt3A_132 = arith.constant 160 : i32
      %lt3A_133 = arith.cmpi slt, %sub3A_129, %lt3A_132 : i32
      %and3A_134 = arith.andi %ge3A_131, %lt3A_133 : i1
      %convert_element_type3A_135 = arith.extui %and3A_134 : i1 to i32
      %cond3A_136 = arith.constant 0 : i32
      %cond3A_137 = arith.cmpi ne, %convert_element_type3A_135, %cond3A_136 : i32
      scf.if %cond3A_137 {
        %dma_wait3A_148 = arith.constant 1 : i32
        %dma_wait3A_149 = arith.constant 0 : i32
        %dma_wait3A_150 = tpu.memref_slice %arg6[%rem3A_64, %dma_wait3A_148, %add3A_111, %dma_wait3A_149] : memref<2x2x16x128xi32, #tpu.memory_space<vmem>> -> memref<1x1x1x128xi32, #tpu.memory_space<vmem>>
        %dma_wait3A_151 = tpu.memref_squeeze %dma_wait3A_150 : memref<1x1x1x128xi32, #tpu.memory_space<vmem>> -> memref<128xi32, #tpu.memory_space<vmem>>
        %dma_wait3A_152 = arith.constant 0 : i32
        %dma_wait3A_153 = arith.constant 0 : i32
        %dma_wait3A_154 = tpu.memref_slice %arg9[%dma_wait3A_152, %dma_wait3A_153] : memref<10240x128xf32, #tpu.memory_space<vmem_shared>> -> memref<10240x128xf32, #tpu.memory_space<vmem_shared>>
        tpu.wait_indirect_dma semaphore(%arg12 : memref<!tpu.dma_semaphore, #tpu.memory_space<semaphore_mem>>) src(%arg7 : memref<128x128xf32, #tpu.memory_space<vmem>>) dst(%dma_wait3A_154 : memref<10240x128xf32, #tpu.memory_space<vmem_shared>>)
        %jit3A_155 = arith.constant 16 : i32
        %div3A_156 = arith.divsi %sub3A_129, %jit3A_155 : i32
        %sign3A_157 = arith.constant 0 : i32
        %sign3A_158 = arith.cmpi sgt, %sub3A_129, %sign3A_157 : i32
        %sign3A_159 = arith.extui %sign3A_158 : i1 to i32
        %sign3A_160 = arith.constant 0 : i32
        %sign3A_161 = arith.cmpi slt, %sub3A_129, %sign3A_160 : i32
        %sign3A_162 = arith.extui %sign3A_161 : i1 to i32
        %sign3A_163 = arith.subi %sign3A_159, %sign3A_162 : i32
        %sign3A_164 = arith.constant 0 : i32
        %sign3A_165 = arith.cmpi sgt, %jit3A_155, %sign3A_164 : i32
        %sign3A_166 = arith.extui %sign3A_165 : i1 to i32
        %sign3A_167 = arith.constant 0 : i32
        %sign3A_168 = arith.cmpi slt, %jit3A_155, %sign3A_167 : i32
        %sign3A_169 = arith.extui %sign3A_168 : i1 to i32
        %sign3A_170 = arith.subi %sign3A_166, %sign3A_169 : i32
        %ne3A_171 = arith.cmpi ne, %sign3A_163, %sign3A_170 : i32
        %rem3A_172 = arith.remsi %sub3A_129, %jit3A_155 : i32
        %ne3A_173 = arith.constant 0 : i32
        %ne3A_174 = arith.cmpi ne, %rem3A_172, %ne3A_173 : i32
        %and3A_175 = arith.andi %ne3A_171, %ne3A_174 : i1
        %sub3A_176 = arith.constant 1 : i32
        %sub3A_177 = arith.subi %div3A_156, %sub3A_176 : i32
        %select_n3A_178 = arith.select %and3A_175, %sub3A_177, %div3A_156 : i32
        %mul3A_179 = arith.constant 16 : i32
        %mul3A_180 = arith.muli %select_n3A_178, %mul3A_179 : i32
        %sub3A_181 = arith.subi %sub3A_129, %mul3A_180 : i32
        %rem3A_182 = arith.constant 2 : i32
        %rem3A_183 = arith.remsi %select_n3A_178, %rem3A_182 : i32
        %dma_start3A_184 = arith.constant 0 : i32
        %dma_start3A_185 = arith.constant 0 : i32
        %dma_start3A_186 = tpu.memref_slice %arg6[%rem3A_183, %dma_start3A_184, %sub3A_181, %dma_start3A_185] : memref<2x2x16x128xi32, #tpu.memory_space<vmem>> -> memref<1x1x1x128xi32, #tpu.memory_space<vmem>>
        %dma_start3A_187 = tpu.memref_squeeze %dma_start3A_186 : memref<1x1x1x128xi32, #tpu.memory_space<vmem>> -> memref<128xi32, #tpu.memory_space<vmem>>
        %dma_start3A_188 = arith.constant 0 : i32
        %dma_start3A_189 = arith.constant 0 : i32
        %dma_start3A_190 = tpu.memref_slice %arg2[%dma_start3A_188, %dma_start3A_189] : memref<20480x128xf32, #tpu.memory_space<hbm>> -> memref<20480x128xf32, #tpu.memory_space<hbm>>
        tpu.enqueue_indirect_dma source(%dma_start3A_190 : memref<20480x128xf32, #tpu.memory_space<hbm>>) target(%arg7 : memref<128x128xf32, #tpu.memory_space<vmem>>) offsets(%dma_start3A_187 : memref<128xi32, #tpu.memory_space<vmem>>) semaphore(%arg10 : memref<!tpu.dma_semaphore, #tpu.memory_space<semaphore_mem>>)
      } else {
      }
      %eq3A_138 = arith.constant 0 : i32
      %eq3A_139 = arith.cmpi eq, %rem3A_62, %eq3A_138 : i32
      %add3A_140 = arith.constant 1 : i32
      %add3A_141 = arith.addi %select_n3A, %add3A_140 : i32
      %lt3A_142 = arith.constant 10 : i32
      %lt3A_143 = arith.cmpi slt, %add3A_141, %lt3A_142 : i32
      %and3A_144 = arith.andi %eq3A_139, %lt3A_143 : i1
      %convert_element_type3A_145 = arith.extui %and3A_144 : i1 to i32
      %cond3A_146 = arith.constant 0 : i32
      %cond3A_147 = arith.cmpi ne, %convert_element_type3A_145, %cond3A_146 : i32
      scf.if %cond3A_147 {
        %add3A_148 = arith.constant 1 : i32
        %add3A_149 = arith.addi %select_n3A, %add3A_148 : i32
        %sub3A_150 = arith.constant 1 : i32
        %sub3A_151 = arith.subi %sub3A_150, %rem3A_64 : i32
        %dma_start3A_152 = arith.constant 0 : i32
        %dma_start3A_153 = arith.constant 0 : i32
        %dma_start3A_154 = arith.constant 0 : i32
        %dma_start3A_155 = tpu.memref_slice %arg6[%sub3A_151, %dma_start3A_152, %dma_start3A_153, %dma_start3A_154] : memref<2x2x16x128xi32, #tpu.memory_space<vmem>> -> memref<1x2x16x128xi32, #tpu.memory_space<vmem>>
        %dma_start3A_156 = tpu.memref_squeeze %dma_start3A_155 : memref<1x2x16x128xi32, #tpu.memory_space<vmem>> -> memref<2x16x128xi32, #tpu.memory_space<vmem>>
        %dma_start3A_157 = arith.constant 0 : i32
        %dma_start3A_158 = arith.constant 0 : i32
        %dma_start3A_159 = arith.constant 0 : i32
        %dma_start3A_160 = tpu.memref_slice %arg3[%arg0, %arg1, %add3A_149, %dma_start3A_157, %dma_start3A_158, %dma_start3A_159] : memref<2x16x10x2x16x128xi32, #tpu.memory_space<hbm>> -> memref<1x1x1x2x16x128xi32, #tpu.memory_space<hbm>>
        %dma_start3A_161 = tpu.memref_squeeze %dma_start3A_160 : memref<1x1x1x2x16x128xi32, #tpu.memory_space<hbm>> -> memref<2x16x128xi32, #tpu.memory_space<hbm>>
        %dma_start3A_162 = arith.constant 0 : i32
        %dma_start3A_163 = arith.constant 0 : i32
        %dma_start3A_164 = arith.constant 0 : i32
        %dma_start3A_165 = tpu.memref_slice %arg6[%sub3A_151, %dma_start3A_162, %dma_start3A_163, %dma_start3A_164] : memref<2x2x16x128xi32, #tpu.memory_space<vmem>> -> memref<1x2x16x128xi32, #tpu.memory_space<vmem>>
        %dma_start3A_166 = tpu.memref_squeeze %dma_start3A_165 : memref<1x2x16x128xi32, #tpu.memory_space<vmem>> -> memref<2x16x128xi32, #tpu.memory_space<vmem>>
        %dma_start3A_167 = arith.constant 0 : i32
        %dma_start3A_168 = arith.constant 0 : i32
        %dma_start3A_169 = arith.constant 0 : i32
        %dma_start3A_170 = tpu.memref_slice %arg3[%arg0, %arg1, %add3A_149, %dma_start3A_167, %dma_start3A_168, %dma_start3A_169] : memref<2x16x10x2x16x128xi32, #tpu.memory_space<hbm>> -> memref<1x1x1x2x16x128xi32, #tpu.memory_space<hbm>>
        %dma_start3A_171 = tpu.memref_squeeze %dma_start3A_170 : memref<1x1x1x2x16x128xi32, #tpu.memory_space<hbm>> -> memref<2x16x128xi32, #tpu.memory_space<hbm>>
        tpu.enqueue_dma source(%dma_start3A_171 : memref<2x16x128xi32, #tpu.memory_space<hbm>>) target(%dma_start3A_166 : memref<2x16x128xi32, #tpu.memory_space<vmem>>) target_semaphore(%arg14 : memref<!tpu.dma_semaphore, #tpu.memory_space<semaphore_mem>>)
      } else {
      }
    }
    %scan3A_23 = arith.constant 80 : i32
    %dma_wait3A = arith.constant 0 : i32
    %dma_wait3A_24 = arith.constant 1 : i32
    %dma_wait3A_25 = arith.constant 0 : i32
    %dma_wait3A_26 = arith.constant 0 : i32
    %dma_wait3A_27 = tpu.memref_slice %arg6[%dma_wait3A, %dma_wait3A_24, %dma_wait3A_25, %dma_wait3A_26] : memref<2x2x16x128xi32, #tpu.memory_space<vmem>> -> memref<1x1x1x128xi32, #tpu.memory_space<vmem>>
    %dma_wait3A_28 = tpu.memref_squeeze %dma_wait3A_27 : memref<1x1x1x128xi32, #tpu.memory_space<vmem>> -> memref<128xi32, #tpu.memory_space<vmem>>
    %dma_wait3A_29 = arith.constant 0 : i32
    %dma_wait3A_30 = arith.constant 0 : i32
    %dma_wait3A_31 = tpu.memref_slice %arg9[%dma_wait3A_29, %dma_wait3A_30] : memref<10240x128xf32, #tpu.memory_space<vmem_shared>> -> memref<10240x128xf32, #tpu.memory_space<vmem_shared>>
    tpu.wait_indirect_dma semaphore(%arg12 : memref<!tpu.dma_semaphore, #tpu.memory_space<semaphore_mem>>) src(%arg7 : memref<128x128xf32, #tpu.memory_space<vmem>>) dst(%dma_wait3A_31 : memref<10240x128xf32, #tpu.memory_space<vmem_shared>>)
    %dma_wait3A_32 = arith.constant 0 : i32
    %dma_wait3A_33 = arith.constant 1 : i32
    %dma_wait3A_34 = arith.constant 0 : i32
    %dma_wait3A_35 = arith.constant 0 : i32
    %dma_wait3A_36 = tpu.memref_slice %arg6[%dma_wait3A_32, %dma_wait3A_33, %dma_wait3A_34, %dma_wait3A_35] : memref<2x2x16x128xi32, #tpu.memory_space<vmem>> -> memref<1x1x1x128xi32, #tpu.memory_space<vmem>>
    %dma_wait3A_37 = tpu.memref_squeeze %dma_wait3A_36 : memref<1x1x1x128xi32, #tpu.memory_space<vmem>> -> memref<128xi32, #tpu.memory_space<vmem>>
    %dma_wait3A_38 = arith.constant 0 : i32
    %dma_wait3A_39 = arith.constant 0 : i32
    %dma_wait3A_40 = tpu.memref_slice %arg9[%dma_wait3A_38, %dma_wait3A_39] : memref<10240x128xf32, #tpu.memory_space<vmem_shared>> -> memref<10240x128xf32, #tpu.memory_space<vmem_shared>>
    tpu.wait_indirect_dma semaphore(%arg13 : memref<!tpu.dma_semaphore, #tpu.memory_space<semaphore_mem>>) src(%arg8 : memref<128x128xf32, #tpu.memory_space<vmem>>) dst(%dma_wait3A_40 : memref<10240x128xf32, #tpu.memory_space<vmem_shared>>)
    %barrier3A_41 = arith.constant 0 : index
    tpu.barrier barrier_id(%barrier3A_41)
    %mul3A_42 = arith.constant 10240 : i32
    %mul3A_43 = arith.muli %arg0, %mul3A_42 : i32
    %add3A = arith.addi %mul3A_43, %mul3A_0 : i32
    "tpu.region"() ({
      %run_scoped3A_44 = tpu.sem_alloc : memref<!tpu.dma_semaphore, #tpu.memory_space<semaphore_mem>>
      %dma_start3A_45 = arith.constant 0 : i32
      %dma_start3A_46 = tpu.memref_slice %arg5[%add3A, %dma_start3A_45] : memref<20480x128xf32, #tpu.memory_space<hbm>> -> memref<640x128xf32, #tpu.memory_space<hbm>>
      %dma_start3A_47 = arith.constant 0 : i32
      %dma_start3A_48 = tpu.memref_slice %arg9[%mul3A_0, %dma_start3A_47] : memref<10240x128xf32, #tpu.memory_space<vmem_shared>> -> memref<640x128xf32, #tpu.memory_space<vmem_shared>>
      tpu.enqueue_dma source(%dma_start3A_48 : memref<640x128xf32, #tpu.memory_space<vmem_shared>>) target(%dma_start3A_46 : memref<640x128xf32, #tpu.memory_space<hbm>>) target_semaphore(%run_scoped3A_44 : memref<!tpu.dma_semaphore, #tpu.memory_space<semaphore_mem>>)
      %dma_wait3A_49 = arith.constant 0 : i32
      %dma_wait3A_50 = tpu.memref_slice %arg5[%add3A, %dma_wait3A_49] : memref<20480x128xf32, #tpu.memory_space<hbm>> -> memref<640x128xf32, #tpu.memory_space<hbm>>
      %dma_wait3A_51 = arith.constant 0 : i32
      %dma_wait3A_52 = tpu.memref_slice %arg9[%mul3A_0, %dma_wait3A_51] : memref<10240x128xf32, #tpu.memory_space<vmem_shared>> -> memref<640x128xf32, #tpu.memory_space<vmem_shared>>
      tpu.wait_dma2 semaphore(%run_scoped3A_44 : memref<!tpu.dma_semaphore, #tpu.memory_space<semaphore_mem>>) src(%dma_wait3A_52 : memref<640x128xf32, #tpu.memory_space<vmem_shared>>) dst(%dma_wait3A_50 : memref<640x128xf32, #tpu.memory_space<hbm>>)
      tpu.yield
    }) : () -> ()
    return
  }
}

module attributes {stable_mosaic.version = 14 : i64} {
  func.func @_tc_first_body(%arg0: i32, %arg1: i32, %arg2: memref<512x128xf32, #tpu.memory_space<vmem>>, %arg3: memref<1x1x128xf32, #tpu.memory_space<vmem>>, %arg4: memref<128x128xf32, #tpu.memory_space<vmem>>, %arg5: memref<512x128xf32, #tpu.memory_space<vmem>>) attributes {dimension_semantics = [#tpu.dimension_semantics<arbitrary>, #tpu.dimension_semantics<arbitrary>], iteration_bounds = array<i64: 2, 20>, scalar_prefetch = 0 : i64, scratch_operands = 0 : i64, tpu.core_type = #tpu.core_type<tc>, window_params = [{transform_indices = @transform_0, window_bounds = array<i64: 512, 128>}, {transform_indices = @transform_1, window_bounds = array<i64: 1, 1, 128>}, {pipeline_mode = #tpu.pipeline_mode<synchronous>, transform_indices = @transform_2, window_bounds = array<i64: 128, 128>}, {transform_indices = @transform_3, window_bounds = array<i64: 512, 128>}]} {
    %get3A = arith.constant 0 : index
    %get3A_0 = arith.constant 0 : index
    %get3A_1 = vector.load %arg2[%get3A, %get3A_0] : memref<512x128xf32, #tpu.memory_space<vmem>>, vector<512x128xf32>
    %get3A_2 = arith.constant 0 : index
    %get3A_3 = arith.constant 0 : index
    %get3A_4 = arith.constant 0 : index
    %get3A_5 = vector.load %arg3[%get3A_2, %get3A_3, %get3A_4] : memref<1x1x128xf32, #tpu.memory_space<vmem>>, vector<1x1x128xf32>
    %get3A_6 = vector.shape_cast %get3A_5 : vector<1x1x128xf32> to vector<1x128xf32>
    %mul3A = vector.broadcast %get3A_6 : vector<1x128xf32> to vector<512x128xf32>
    %mul3A_7 = arith.mulf %get3A_1, %mul3A : vector<512x128xf32>
    %get3A_8 = arith.constant 0 : index
    %get3A_9 = arith.constant 0 : index
    %get3A_10 = vector.load %arg4[%get3A_8, %get3A_9] : memref<128x128xf32, #tpu.memory_space<vmem>>, vector<128x128xf32>
    %dot_general3A = arith.constant dense<0.000000e+00> : vector<512x128xf32>
    %dot_general3A_11 = tpu.matmul %mul3A_7, %get3A_10, %dot_general3A {dimension_numbers = #tpu.dot_dimension_numbers<[1], [0], [0], [1], [0, 0, 1, 1], [], []>, transpose_lhs_hint = false} : vector<512x128xf32>, vector<128x128xf32>, vector<512x128xf32> -> vector<512x128xf32>
    %swap3A = arith.constant 0 : index
    %swap3A_12 = arith.constant 0 : index
    %swap3A_13 = vector.load %arg5[%swap3A, %swap3A_12] : memref<512x128xf32, #tpu.memory_space<vmem>>, vector<512x128xf32>
    tpu.vector_store %arg5[%swap3A, %swap3A_12], %dot_general3A_11 {strides = array<i32>} : memref<512x128xf32, #tpu.memory_space<vmem>>, vector<512x128xf32>,
    return
  }
  func.func @transform_0(%arg0: i32, %arg1: i32) -> (i32, i32) {
    %mul3A = arith.constant 20 : i32
    %mul3A_0 = arith.muli %arg0, %mul3A : i32
    %add3A = arith.addi %mul3A_0, %arg1 : i32
    %c0_i32 = arith.constant 0 : i32
    %c0_i32_1 = arith.constant 0 : i32
    return %add3A, %c0_i32 : i32, i32
  }
  func.func @transform_1(%arg0: i32, %arg1: i32) -> (i32, i32, i32) {
    %c0_i32 = arith.constant 0 : i32
    %c0_i32_0 = arith.constant 0 : i32
    %c0_i32_1 = arith.constant 0 : i32
    return %arg0, %c0_i32, %c0_i32_0 : i32, i32, i32
  }
  func.func @transform_2(%arg0: i32, %arg1: i32) -> (i32, i32) {
    %c0_i32 = arith.constant 0 : i32
    %c0_i32_0 = arith.constant 0 : i32
    %c0_i32_1 = arith.constant 0 : i32
    return %c0_i32, %c0_i32_0 : i32, i32
  }
  func.func @transform_3(%arg0: i32, %arg1: i32) -> (i32, i32) {
    %mul3A = arith.constant 20 : i32
    %mul3A_0 = arith.muli %arg0, %mul3A : i32
    %add3A = arith.addi %mul3A_0, %arg1 : i32
    %c0_i32 = arith.constant 0 : i32
    %c0_i32_1 = arith.constant 0 : i32
    return %add3A, %c0_i32 : i32, i32
  }
}

module attributes {stable_mosaic.version = 14 : i64} {
  func.func @_tc_mid_body(%arg0: i32, %arg1: i32, %arg2: memref<512x128xf32, #tpu.memory_space<vmem>>, %arg3: memref<512x128xf32, #tpu.memory_space<vmem>>, %arg4: memref<1x1x128xf32, #tpu.memory_space<vmem>>, %arg5: memref<128x128xf32, #tpu.memory_space<vmem>>, %arg6: memref<1x128xf32, #tpu.memory_space<vmem>>, %arg7: memref<128x128xf32, #tpu.memory_space<vmem>>, %arg8: memref<512x128xf32, #tpu.memory_space<vmem>>, %arg9: memref<512x128xf32, #tpu.memory_space<vmem>>) attributes {dimension_semantics = [#tpu.dimension_semantics<arbitrary>, #tpu.dimension_semantics<arbitrary>], iteration_bounds = array<i64: 2, 20>, scalar_prefetch = 0 : i64, scratch_operands = 0 : i64, tpu.core_type = #tpu.core_type<tc>, window_params = [{transform_indices = @transform_0, window_bounds = array<i64: 512, 128>}, {transform_indices = @transform_1, window_bounds = array<i64: 512, 128>}, {transform_indices = @transform_2, window_bounds = array<i64: 1, 1, 128>}, {pipeline_mode = #tpu.pipeline_mode<synchronous>, transform_indices = @transform_3, window_bounds = array<i64: 128, 128>}, {pipeline_mode = #tpu.pipeline_mode<synchronous>, transform_indices = @transform_4, window_bounds = array<i64: 1, 128>}, {pipeline_mode = #tpu.pipeline_mode<synchronous>, transform_indices = @transform_5, window_bounds = array<i64: 128, 128>}, {transform_indices = @transform_6, window_bounds = array<i64: 512, 128>}, {transform_indices = @transform_7, window_bounds = array<i64: 512, 128>}]} {
    %get3A = arith.constant 0 : index
    %get3A_0 = arith.constant 0 : index
    %get3A_1 = vector.load %arg2[%get3A, %get3A_0] : memref<512x128xf32, #tpu.memory_space<vmem>>, vector<512x128xf32>
    %get3A_2 = arith.constant 0 : index
    %get3A_3 = arith.constant 0 : index
    %get3A_4 = vector.load %arg3[%get3A_2, %get3A_3] : memref<512x128xf32, #tpu.memory_space<vmem>>, vector<512x128xf32>
    %get3A_5 = arith.constant 0 : index
    %get3A_6 = arith.constant 0 : index
    %get3A_7 = arith.constant 0 : index
    %get3A_8 = vector.load %arg4[%get3A_5, %get3A_6, %get3A_7] : memref<1x1x128xf32, #tpu.memory_space<vmem>>, vector<1x1x128xf32>
    %get3A_9 = vector.shape_cast %get3A_8 : vector<1x1x128xf32> to vector<1x128xf32>
    %mul3A = vector.broadcast %get3A_9 : vector<1x128xf32> to vector<512x128xf32>
    %mul3A_10 = arith.mulf %get3A_4, %mul3A : vector<512x128xf32>
    %get3A_11 = arith.constant 0 : index
    %get3A_12 = arith.constant 0 : index
    %get3A_13 = vector.load %arg5[%get3A_11, %get3A_12] : memref<128x128xf32, #tpu.memory_space<vmem>>, vector<128x128xf32>
    %dot_general3A = arith.constant dense<0.000000e+00> : vector<512x128xf32>
    %dot_general3A_14 = tpu.matmul %mul3A_10, %get3A_13, %dot_general3A {dimension_numbers = #tpu.dot_dimension_numbers<[1], [0], [0], [1], [0, 0, 1, 1], [], []>, transpose_lhs_hint = false} : vector<512x128xf32>, vector<128x128xf32>, vector<512x128xf32> -> vector<512x128xf32>
    %add3A = arith.addf %get3A_1, %dot_general3A_14 : vector<512x128xf32>
    %get3A_15 = arith.constant 0 : index
    %get3A_16 = arith.constant 0 : index
    %get3A_17 = vector.load %arg6[%get3A_15, %get3A_16] : memref<1x128xf32, #tpu.memory_space<vmem>>, vector<1x128xf32>
    %add3A_18 = vector.broadcast %get3A_17 : vector<1x128xf32> to vector<512x128xf32>
    %add3A_19 = arith.addf %add3A, %add3A_18 : vector<512x128xf32>
    %max3A = arith.constant 0.000000e+00 : f32
    %max3A_20 = vector.broadcast %max3A : f32 to vector<512x128xf32>
    %max3A_21 = arith.maximumf %add3A_19, %max3A_20 : vector<512x128xf32>
    %mul3A_22 = arith.constant 512 : i32
    %mul3A_23 = arith.muli %arg1, %mul3A_22 : i32
    %iota3A = tpu.iota {dimensions = array<i32: 0>} : vector<512x128xi32>
    %add3A_24 = vector.broadcast %mul3A_23 : i32 to vector<512x128xi32>
    %add3A_25 = arith.addi %add3A_24, %iota3A : vector<512x128xi32>
    %lt3A = arith.constant 10000 : i32
    %lt3A_26 = vector.broadcast %lt3A : i32 to vector<512x128xi32>
    %lt3A_27 = arith.cmpi slt, %add3A_25, %lt3A_26 : vector<512x128xi32>
    %jit3A = arith.constant 0.000000e+00 : f32
    %broadcast_in_dim3A = vector.broadcast %jit3A : f32 to vector<512x128xf32>
    %select_n3A = arith.select %lt3A_27, %max3A_21, %broadcast_in_dim3A : vector<512x128xi1>, vector<512x128xf32>
    %swap3A = arith.constant 0 : index
    %swap3A_28 = arith.constant 0 : index
    %swap3A_29 = vector.load %arg8[%swap3A, %swap3A_28] : memref<512x128xf32, #tpu.memory_space<vmem>>, vector<512x128xf32>
    tpu.vector_store %arg8[%swap3A, %swap3A_28], %select_n3A {strides = array<i32>} : memref<512x128xf32, #tpu.memory_space<vmem>>, vector<512x128xf32>,
    %get3A_30 = arith.constant 0 : index
    %get3A_31 = arith.constant 0 : index
    %get3A_32 = vector.load %arg7[%get3A_30, %get3A_31] : memref<128x128xf32, #tpu.memory_space<vmem>>, vector<128x128xf32>
    %dot_general3A_33 = arith.constant dense<0.000000e+00> : vector<512x128xf32>
    %dot_general3A_34 = tpu.matmul %select_n3A, %get3A_32, %dot_general3A_33 {dimension_numbers = #tpu.dot_dimension_numbers<[1], [0], [0], [1], [0, 0, 1, 1], [], []>, transpose_lhs_hint = false} : vector<512x128xf32>, vector<128x128xf32>, vector<512x128xf32> -> vector<512x128xf32>
    %swap3A_35 = arith.constant 0 : index
    %swap3A_36 = arith.constant 0 : index
    %swap3A_37 = vector.load %arg9[%swap3A_35, %swap3A_36] : memref<512x128xf32, #tpu.memory_space<vmem>>, vector<512x128xf32>
    tpu.vector_store %arg9[%swap3A_35, %swap3A_36], %dot_general3A_34 {strides = array<i32>} : memref<512x128xf32, #tpu.memory_space<vmem>>, vector<512x128xf32>,
    return
  }
  func.func @transform_0(%arg0: i32, %arg1: i32) -> (i32, i32) {
    %mul3A = arith.constant 20 : i32
    %mul3A_0 = arith.muli %arg0, %mul3A : i32
    %add3A = arith.addi %mul3A_0, %arg1 : i32
    %c0_i32 = arith.constant 0 : i32
    %c0_i32_1 = arith.constant 0 : i32
    return %add3A, %c0_i32 : i32, i32
  }
  func.func @transform_1(%arg0: i32, %arg1: i32) -> (i32, i32) {
    %mul3A = arith.constant 20 : i32
    %mul3A_0 = arith.muli %arg0, %mul3A : i32
    %add3A = arith.addi %mul3A_0, %arg1 : i32
    %c0_i32 = arith.constant 0 : i32
    %c0_i32_1 = arith.constant 0 : i32
    return %add3A, %c0_i32 : i32, i32
  }
  func.func @transform_2(%arg0: i32, %arg1: i32) -> (i32, i32, i32) {
    %c0_i32 = arith.constant 0 : i32
    %c0_i32_0 = arith.constant 0 : i32
    %c0_i32_1 = arith.constant 0 : i32
    return %arg0, %c0_i32, %c0_i32_0 : i32, i32, i32
  }
  func.func @transform_3(%arg0: i32, %arg1: i32) -> (i32, i32) {
    %c0_i32 = arith.constant 0 : i32
    %c0_i32_0 = arith.constant 0 : i32
    %c0_i32_1 = arith.constant 0 : i32
    return %c0_i32, %c0_i32_0 : i32, i32
  }
  func.func @transform_4(%arg0: i32, %arg1: i32) -> (i32, i32) {
    %c0_i32 = arith.constant 0 : i32
    %c0_i32_0 = arith.constant 0 : i32
    %c0_i32_1 = arith.constant 0 : i32
    return %c0_i32, %c0_i32_0 : i32, i32
  }
  func.func @transform_5(%arg0: i32, %arg1: i32) -> (i32, i32) {
    %c0_i32 = arith.constant 0 : i32
    %c0_i32_0 = arith.constant 0 : i32
    %c0_i32_1 = arith.constant 0 : i32
    return %c0_i32, %c0_i32_0 : i32, i32
  }
  func.func @transform_6(%arg0: i32, %arg1: i32) -> (i32, i32) {
    %mul3A = arith.constant 20 : i32
    %mul3A_0 = arith.muli %arg0, %mul3A : i32
    %add3A = arith.addi %mul3A_0, %arg1 : i32
    %c0_i32 = arith.constant 0 : i32
    %c0_i32_1 = arith.constant 0 : i32
    return %add3A, %c0_i32 : i32, i32
  }
  func.func @transform_7(%arg0: i32, %arg1: i32) -> (i32, i32) {
    %mul3A = arith.constant 20 : i32
    %mul3A_0 = arith.muli %arg0, %mul3A : i32
    %add3A = arith.addi %mul3A_0, %arg1 : i32
    %c0_i32 = arith.constant 0 : i32
    %c0_i32_1 = arith.constant 0 : i32
    return %add3A, %c0_i32 : i32, i32
  }
}

module attributes {stable_mosaic.version = 14 : i64} {
  func.func @_tc_last_body(%arg0: i32, %arg1: i32, %arg2: memref<512x128xf32, #tpu.memory_space<vmem>>, %arg3: memref<512x128xf32, #tpu.memory_space<vmem>>, %arg4: memref<128x128xf32, #tpu.memory_space<vmem>>, %arg5: memref<1x128xf32, #tpu.memory_space<vmem>>, %arg6: memref<128x128xf32, #tpu.memory_space<vmem>>, %arg7: memref<1x128xf32, #tpu.memory_space<vmem>>, %arg8: memref<512x128xf32, #tpu.memory_space<vmem>>) attributes {dimension_semantics = [#tpu.dimension_semantics<arbitrary>, #tpu.dimension_semantics<arbitrary>], iteration_bounds = array<i64: 2, 20>, scalar_prefetch = 0 : i64, scratch_operands = 0 : i64, tpu.core_type = #tpu.core_type<tc>, window_params = [{transform_indices = @transform_0, window_bounds = array<i64: 512, 128>}, {transform_indices = @transform_1, window_bounds = array<i64: 512, 128>}, {pipeline_mode = #tpu.pipeline_mode<synchronous>, transform_indices = @transform_2, window_bounds = array<i64: 128, 128>}, {pipeline_mode = #tpu.pipeline_mode<synchronous>, transform_indices = @transform_3, window_bounds = array<i64: 1, 128>}, {pipeline_mode = #tpu.pipeline_mode<synchronous>, transform_indices = @transform_4, window_bounds = array<i64: 128, 128>}, {pipeline_mode = #tpu.pipeline_mode<synchronous>, transform_indices = @transform_5, window_bounds = array<i64: 1, 128>}, {transform_indices = @transform_6, window_bounds = array<i64: 512, 128>}]} {
    %get3A = arith.constant 0 : index
    %get3A_0 = arith.constant 0 : index
    %get3A_1 = vector.load %arg2[%get3A, %get3A_0] : memref<512x128xf32, #tpu.memory_space<vmem>>, vector<512x128xf32>
    %get3A_2 = arith.constant 0 : index
    %get3A_3 = arith.constant 0 : index
    %get3A_4 = vector.load %arg3[%get3A_2, %get3A_3] : memref<512x128xf32, #tpu.memory_space<vmem>>, vector<512x128xf32>
    %get3A_5 = arith.constant 0 : index
    %get3A_6 = arith.constant 0 : index
    %get3A_7 = vector.load %arg4[%get3A_5, %get3A_6] : memref<128x128xf32, #tpu.memory_space<vmem>>, vector<128x128xf32>
    %dot_general3A = arith.constant dense<0.000000e+00> : vector<512x128xf32>
    %dot_general3A_8 = tpu.matmul %get3A_4, %get3A_7, %dot_general3A {dimension_numbers = #tpu.dot_dimension_numbers<[1], [0], [0], [1], [0, 0, 1, 1], [], []>, transpose_lhs_hint = false} : vector<512x128xf32>, vector<128x128xf32>, vector<512x128xf32> -> vector<512x128xf32>
    %add3A = arith.addf %get3A_1, %dot_general3A_8 : vector<512x128xf32>
    %get3A_9 = arith.constant 0 : index
    %get3A_10 = arith.constant 0 : index
    %get3A_11 = vector.load %arg5[%get3A_9, %get3A_10] : memref<1x128xf32, #tpu.memory_space<vmem>>, vector<1x128xf32>
    %add3A_12 = vector.broadcast %get3A_11 : vector<1x128xf32> to vector<512x128xf32>
    %add3A_13 = arith.addf %add3A, %add3A_12 : vector<512x128xf32>
    %max3A = arith.constant 0.000000e+00 : f32
    %max3A_14 = vector.broadcast %max3A : f32 to vector<512x128xf32>
    %max3A_15 = arith.maximumf %add3A_13, %max3A_14 : vector<512x128xf32>
    %get3A_16 = arith.constant 0 : index
    %get3A_17 = arith.constant 0 : index
    %get3A_18 = vector.load %arg6[%get3A_16, %get3A_17] : memref<128x128xf32, #tpu.memory_space<vmem>>, vector<128x128xf32>
    %dot_general3A_19 = arith.constant dense<0.000000e+00> : vector<512x128xf32>
    %dot_general3A_20 = tpu.matmul %max3A_15, %get3A_18, %dot_general3A_19 {dimension_numbers = #tpu.dot_dimension_numbers<[1], [0], [0], [1], [0, 0, 1, 1], [], []>, transpose_lhs_hint = false} : vector<512x128xf32>, vector<128x128xf32>, vector<512x128xf32> -> vector<512x128xf32>
    %get3A_21 = arith.constant 0 : index
    %get3A_22 = arith.constant 0 : index
    %get3A_23 = vector.load %arg7[%get3A_21, %get3A_22] : memref<1x128xf32, #tpu.memory_space<vmem>>, vector<1x128xf32>
    %add3A_24 = vector.broadcast %get3A_23 : vector<1x128xf32> to vector<512x128xf32>
    %add3A_25 = arith.addf %dot_general3A_20, %add3A_24 : vector<512x128xf32>
    %swap3A = arith.constant 0 : index
    %swap3A_26 = arith.constant 0 : index
    %swap3A_27 = vector.load %arg8[%swap3A, %swap3A_26] : memref<512x128xf32, #tpu.memory_space<vmem>>, vector<512x128xf32>
    tpu.vector_store %arg8[%swap3A, %swap3A_26], %add3A_25 {strides = array<i32>} : memref<512x128xf32, #tpu.memory_space<vmem>>, vector<512x128xf32>,
    return
  }
  func.func @transform_0(%arg0: i32, %arg1: i32) -> (i32, i32) {
    %mul3A = arith.constant 20 : i32
    %mul3A_0 = arith.muli %arg0, %mul3A : i32
    %add3A = arith.addi %mul3A_0, %arg1 : i32
    %c0_i32 = arith.constant 0 : i32
    %c0_i32_1 = arith.constant 0 : i32
    return %add3A, %c0_i32 : i32, i32
  }
  func.func @transform_1(%arg0: i32, %arg1: i32) -> (i32, i32) {
    %mul3A = arith.constant 20 : i32
    %mul3A_0 = arith.muli %arg0, %mul3A : i32
    %add3A = arith.addi %mul3A_0, %arg1 : i32
    %c0_i32 = arith.constant 0 : i32
    %c0_i32_1 = arith.constant 0 : i32
    return %add3A, %c0_i32 : i32, i32
  }
  func.func @transform_2(%arg0: i32, %arg1: i32) -> (i32, i32) {
    %c0_i32 = arith.constant 0 : i32
    %c0_i32_0 = arith.constant 0 : i32
    %c0_i32_1 = arith.constant 0 : i32
    return %c0_i32, %c0_i32_0 : i32, i32
  }
  func.func @transform_3(%arg0: i32, %arg1: i32) -> (i32, i32) {
    %c0_i32 = arith.constant 0 : i32
    %c0_i32_0 = arith.constant 0 : i32
    %c0_i32_1 = arith.constant 0 : i32
    return %c0_i32, %c0_i32_0 : i32, i32
  }
  func.func @transform_4(%arg0: i32, %arg1: i32) -> (i32, i32) {
    %c0_i32 = arith.constant 0 : i32
    %c0_i32_0 = arith.constant 0 : i32
    %c0_i32_1 = arith.constant 0 : i32
    return %c0_i32, %c0_i32_0 : i32, i32
  }
  func.func @transform_5(%arg0: i32, %arg1: i32) -> (i32, i32) {
    %c0_i32 = arith.constant 0 : i32
    %c0_i32_0 = arith.constant 0 : i32
    %c0_i32_1 = arith.constant 0 : i32
    return %c0_i32, %c0_i32_0 : i32, i32
  }
  func.func @transform_6(%arg0: i32, %arg1: i32) -> (i32, i32) {
    %mul3A = arith.constant 20 : i32
    %mul3A_0 = arith.muli %arg0, %mul3A : i32
    %add3A = arith.addi %mul3A_0, %arg1 : i32
    %c0_i32 = arith.constant 0 : i32
    %c0_i32_1 = arith.constant 0 : i32
    return %add3A, %c0_i32 : i32, i32
  }
}

</mosaic_0001>

<sc_bundles>
// kernel: kernel.12.cloned.1.call-start
scs
__scs_entry_jumppad:
0x0: {  	(pc) =	sbr.rel $0x88, $3  }
0x1: {  	(tag) =	ssettag $0x0;
	lr =	simm.s32 $0x1  }
0x2: {  	[smem:$0x3F94] =	sst lr;
	_ =	strace $0xD0000000  }
0x3: {  	_ = 	snop  }
0x4: {  	_ = 	snop  }
0x5: {  	_ = 	snop  }
0x6: {  	_ = 	snop  }
0x7: {  	_ = 	snop  }
__scs_overlays_trampoline_lowered:
0x8: {  	[smem:$0x3FA3] =	sst s0  }
0x9: {  	[smem:$0x3FA4] =	sst s1  }
0xa: {  	[smem:$0x3FA5] =	sst s2  }
0xb: {  	[smem:$0x3FA6] =	sst s3  }
0xc: {  	[smem:$0x3FA7] =	sst s4  }
0xd: {  	[smem:$0x3FA8] =	sst s5  }
0xe: {  	[smem:$0x3FA9] =	sst s6  }
0xf: {  	[smem:$0x3FAA] =	sst s7  }
0x10: {  	[smem:$0x3FAB] =	sst s8  }
0x11: {  	[smem:$0x3FAC] =	sst s9;
	s0 =	simm.s32 @!p0 $0x0  }
0x12: {  	s1 =	sld [smem:$0x3F92];
	s0 =	simm.s32 @p0 $0x1  }
0x13: {  	[smem:$0x3FAD] =	sst s0;
	s0 =	simm.s32 @!p1 $0x0  }
0x14: {  	s2 =	sld [smem:$0x3F91];
	s0 =	simm.s32 @p1 $0x1  }
0x15: {  	[smem:$0x3FAE] =	sst s0;
	s0 =	simm.s32 @!p2 $0x0  }
0x16: {  	s3 =	sld [smem:$0x3FDB];
	s0 =	simm.s32 @p2 $0x1  }
0x17: {  	s4 =	simm.s32 $0x1BF5;
	[smem:$0x3FB0] =	sst s0  }
0x18: {  	s0 =	sld [smem:$0x3F93];
	_ =	swait.ge [sflag:s4], $0x0  }
0x19: {  	s7 =	sld [smem:$0x3F94]  }
0x1a: {  	s8 =	sadd.s32 $0xFFFFE003, lr  }
0x1b: {  	s9 =	sadd.s32 $0xFFFFFEF7, lr;
	s5 =	simm.s32 $0xFFFFFFFF;
	p2 =	slt.u32 s8, $0xFFFFF086  }
0x1c: {  	p1 =	slt.u32 s9, $0xF7A;
	s5 =	simm.s32 @!p2 $0x0  }
0x1d: {  	s5 =	simm.s32 @p1 $0x1;
	p0 =	seq.s32 s7, s2  }
0x1e: {  	s7 =	smul.u32 @!p0 $0xF7A, s2;
	p2 =	seq.s32 @!p0 s5, $0x0  }
0x1f: {  	s9 =	smul.u32 $0xF7A, s1;
	s8 =	simm.s32 @!p0 $0x1BF5;
	p2 =	por !p2, p0  }
0x20: {  	[sflag:s8] =	ssyncset.s32 @!p0 $0xFFFFF086;
	s6 =	sadd.s32 @!p0 s3, s7;
	s7 =	simm.s32 @!p0 $0x108  }
0x21: {  	s3 =	sadd.s32 s3, s9;
	s6 =	sadd.s32 @!p0 $0x88, s6;
	s7 =	simm.s32 @p2 $0x1082  }
0x22: {  	[simem:s7], [sflag:s8] =	dma.local @!p0 [hbm:s6], $0xF7A  }
0x23: {  	s9 =	sor.u32 $0xD0000000, s2;
	s6 =	simm.s32 $0x108;
	_ =	swait.ge @!p0 [sflag:s8], $0x0  }
0x24: {  	s3 =	sadd.s32 $0x88, s3;
	s6 =	simm.s32 @!p1 $0x1082;
	[sflag:s4] =	ssyncset.s32 $0xFFFFF086  }
0x25: {  	[simem:s6], [sflag:s4] =	dma.local [hbm:s3], $0xF7A  }
0x26: {  	[smem:$0x3F94] =	sst s1;
	(tag) =	ssettag s2;
	_ =	strace s9  }
0x27: {  	s1 =	sld [smem:$0x3FA4]  }
0x28: {  	s2 =	sld [smem:$0x3FA5]  }
0x29: {  	s4 =	sld [smem:$0x3FA7]  }
0x2a: {  	p0 =	seq.s32 s5, $0x0;
	s5 =	sld [smem:$0x3FA8]  }
0x2b: {  	s6 =	sld [smem:$0x3FA9]  }
0x2c: {  	s7 =	sld [smem:$0x3FAA]  }
0x2d: {  	s3 =	simm.s32 $0x108;
	s8 =	sld [smem:$0x3FAB]  }
0x2e: {  	s3 =	simm.s32 @!p0 $0x1082;
	s9 =	sld [smem:$0x3FAC]  }
0x2f: {  	lr =	sadd.s32 s0, s3;
	s0 =	sld [smem:$0x3FA3]  }
0x30: {  	s3 =	sld [smem:$0x3FA6]  }
0x31: {  	[smem:$0x3FAF] =	sst s10  }
0x32: {  	s10 =	sld [smem:$0x3FAD];
	_ =	sdelay $0x3  }
0x33: {  	p0 =	seq.s32 s10, $0x1;
	s10 =	sld [smem:$0x3FAF];
	_ =	sdelay $0x3  }
0x34: {  	[smem:$0x3FAF] =	sst s10  }
0x35: {  	s10 =	sld [smem:$0x3FAE];
	_ =	sdelay $0x3  }
0x36: {  	p1 =	seq.s32 s10, $0x1;
	s10 =	sld [smem:$0x3FAF];
	_ =	sdelay $0x3  }
0x37: {  	[smem:$0x3FAF] =	sst s10  }
0x38: {  	s10 =	sld [smem:$0x3FB0]  }
0x39: {  	_ = 	snop;
	(pc) =	sbr.ind lr, $3  }
0x3a: {  	_ = 	snop  }
0x3b: {  	_ = 	snop  }
0x3c: {  	p2 =	seq.s32 s10, $0x1;
	s10 =	sld [smem:$0x3FAF]  }
0x3d: {  	_ =	shalt  }
0x3e: {  	_ =	shalt  }
0x3f: {  	_ =	shalt  }
0x40: {  	_ =	shalt  }
0x41: {  	_ =	shalt  }
0x42: {  	_ =	shalt  }
0x43: {  	_ =	shalt  }
0x44: {  	_ =	shalt  }
0x45: {  	_ =	shalt  }
0x46: {  	_ =	shalt  }
0x47: {  	_ =	shalt  }
0x48: {  	_ =	shalt  }
0x49: {  	_ =	shalt  }
0x4a: {  	_ =	shalt  }
0x4b: {  	_ =	shalt  }
0x4c: {  	_ =	shalt  }
0x4d: {  	_ =	shalt  }
0x4e: {  	_ =	shalt  }
0x4f: {  	_ =	shalt  }
0x50: {  	_ =	shalt  }
0x51: {  	_ =	shalt  }
0x52: {  	_ =	shalt  }
0x53: {  	_ =	shalt  }
0x54: {  	_ =	shalt  }
0x55: {  	_ =	shalt  }
0x56: {  	_ =	shalt  }
0x57: {  	_ =	shalt  }
0x58: {  	_ =	shalt  }
0x59: {  	_ =	shalt  }
0x5a: {  	_ =	shalt  }
0x5b: {  	_ =	shalt  }
0x5c: {  	_ =	shalt  }
0x5d: {  	_ =	shalt  }
0x5e: {  	_ =	shalt  }
0x5f: {  	_ =	shalt  }
0x60: {  	_ =	shalt  }
0x61: {  	_ =	shalt  }
0x62: {  	_ =	shalt  }
0x63: {  	_ =	shalt  }
0x64: {  	_ =	shalt  }
0x65: {  	_ =	shalt  }
0x66: {  	_ =	shalt  }
0x67: {  	_ =	shalt  }
0x68: {  	_ =	shalt  }
0x69: {  	_ =	shalt  }
0x6a: {  	_ =	shalt  }
0x6b: {  	_ =	shalt  }
0x6c: {  	_ =	shalt  }
0x6d: {  	_ =	shalt  }
0x6e: {  	_ =	shalt  }
0x6f: {  	_ =	shalt  }
0x70: {  	_ =	shalt  }
0x71: {  	_ =	shalt  }
0x72: {  	_ =	shalt  }
0x73: {  	_ =	shalt  }
0x74: {  	_ =	shalt  }
0x75: {  	_ =	shalt  }
0x76: {  	_ =	shalt  }
0x77: {  	_ =	shalt  }
0x78: {  	_ =	shalt  }
0x79: {  	_ =	shalt  }
0x7a: {  	_ =	shalt  }
0x7b: {  	_ =	shalt  }
0x7c: {  	_ =	shalt  }
0x7d: {  	_ =	shalt  }
0x7e: {  	_ =	shalt  }
0x7f: {  	_ =	shalt  }
0x80: {  	_ =	shalt  }
0x81: {  	_ =	shalt  }
0x82: {  	_ =	shalt  }
0x83: {  	_ =	shalt  }
0x84: {  	_ =	shalt  }
0x85: {  	_ =	shalt  }
0x86: {  	_ =	shalt  }
0x87: {  	_ =	shalt  }
.Lfunc_end0:
.L_simem_size_0:
called_computation.1_lowered:
.L_overlay_start_0:
0x88: {  	s2 =	sld [smem:$0x3FD9]  }
0x89: {  	s3 =	sld [smem:$0x3FFE];
	_ =	sdelay $0x1  }
0x8a: {  	s1 =	srdreg.scid  }
0x8b: {  	s0 =	sand.u32 $0x1, s1  }
0x8c: {  	s16 =	sshll.u32 s0, $0xA;
	s2 =	sadd.s32 s3, s2  }
0x8d: {  	s2 =	sadd.s32 s2, s16  }
0x8e: {  	[smem:$0x3FBB] =	sst s2  }
0x8f: {  	_ = 	snop  }
0x90: {  	(tm) =	ssettm $0x1  }
0x91: {  	s17 =	sld [smem:$0x3FFB];
	_ =	sdelay $0x3  }
0x92: {  	_ =	strace s17  }
0x93: {  	s2 =	sld [smem:$0x3FFC];
	_ =	sdelay $0x3  }
0x94: {  	_ =	strace s2  }
0x95: {  	s2 =	sld [smem:$0x3FFD];
	_ =	sdelay $0x3  }
0x96: {  	_ =	strace s2  }
0x97: {  	_ =	strace $0x8FFFFFFF  }
0x98: {  	s18 =	sld [smem:$0x3FDB];
	_ =	sdelay $0x1  }
0x99: {  	s19 =	simm.s32 $_scs_section_size  }
0x9a: {  	s4 =	simm.s32 $_size__tile_overlayer_lowered;
	s5 =	simm.s32 $_tile_overlayer_lowered  }
0x9b: {  	s22 =	simm.s32 $0x1BFF;
	s21 =	sshll.u32 s5, $0x1;
	s2 =	sadd.s32 s19, s18  }
0x9c: {  	s6 =	simm.s32 $0x0;
	s20 =	sshll.u32 s4, $0x1;
	s4 =	sadd.s32 s21, s2  }
0x9d: {  	[timem:s6], [sflag:s22] =	dma.local [hbm:s4], s20  }
0x9e: {  	_ =	swait.ge [sflag:s22], s20  }
0x9f: {  	s3 =	ssub.s32 $0x0, s20;
	[sflag:s22] =	ssyncset.done $0x0  }
0xa0: {  	[sflag:s22] =	ssyncadd.s32 s3;
	_ =	sdelay $0x1  }
0xa1: {  	s23 =	simm.s32 $0x1B8B  }
0xa2: {  	_ =	swait.ge [sflag:s23], $0x1  }
0xa3: {  	[sflag:s23] =	ssyncset.done $0x0  }
0xa4: {  	s25 =	simm.s32 $0x1B8E;
	s24 =	sld [smem:$0x3FFE];
	[sflag:s23] =	ssyncadd.s32 $0xFFFFFFFF  }
0xa5: {  	s26 =	simm.s32 $execute0_lowered;
	[smem:$0x3FD2] =	sst s25  }
0xa6: {  	s4 =	sshll.u32 s26, $0x1;
	_ =	strace $0x80000049;
	[dreg:$0x1] =	wrdreg $0xFFFFFFFF  }
0xa7: {  	s28 =	simm.s32 $_size_execute0_lowered;
	s2 =	sadd.s32 s2, s4;
	[dreg:$0x0] =	wrdreg $0x0  }
0xa8: {  	s4 =	sshll.u32 s28, $0x1;
	[dreg:$0x2] =	wrdreg s2  }
0xa9: {  	[dreg:$0x3] =	wrdreg s4  }
0xaa: {  	[dreg:$0x4] =	wrdreg $0xC0  }
0xab: {  	_ =	task [dreg:s6], $0x5FFFF  }
0xac: {  	[dreg:$0x1] =	wrdreg $0xFFFFFFFF  }
0xad: {  	[dreg:$0x0] =	wrdreg $0x60  }
0xae: {  	[dreg:$0x2] =	wrdreg s24  }
0xaf: {  	[dreg:$0x3] =	wrdreg $0xA0000  }
0xb0: {  	[dreg:$0x4] =	wrdreg $0x9  }
0xb1: {  	_ =	task.clear_ibuf [dreg:s6], $0x5FFFF;
	_ =	strace $0x90000049  }
0xb2: {  	s29 =	simm.s32 $0x9;
	_ =	strace $0x8000004B  }
0xb3: {  	_ =	swait.ge [sflag:s29], $0x1  }
0xb4: {  	[sflag:s29] =	ssyncadd.s32 $0xFFFFFFFF  }
0xb5: {  	_ =	strace $0x9000004B  }
0xb6: {  	_ =	sfence  }
0xb7: {  	s30 =	sld [smem:$0x0];
	_ =	sdelay $0x2  }
0xb8: {  	s31 =	sshll.u32 s1, $0xD;
	s1 =	sshrl.u32 s1, $0x2  }
0xb9: {  	s3 =	sand.u32 $0x4000, s31;
	s1 =	sadd.s32 s1, s30  }
0xba: {  	s0 =	sor.u32 s3, s0;
	s1 =	sshll.u32 s1, $0x11  }
0xbb: {  	s0 =	sor.u32 s1, s0  }
0xbc: {  	s0 =	sadd.s32 $0x8F2B, s0  }
0xbd: {  	[sflag:s0] =	ssyncadd.remote.s32 $0x1  }
0xbe: {  	_ =	sfence.sel $0xFFFF  }
0xbf: {  	[dreg:$0x0] =	wrdreg $0xFFFFFFFF;
	(pc) =	sbr.abs _section_cstart, $3  }
0xc0: {  	[dreg:$0x1] =	wrdreg $0xFFFFFFFF  }
0xc1: {  	_ =	task.clear_ibuf [dreg:s6], $0x2FFFF;
	_ =	strace $0x9FFFFFFF  }
0xc2: {  	(tm) =	ssettm $0x7FFFFFFF  }
0xc3: {  	_ =	shalt  }
tec
execute0_lowered:
.L_overlay_start_1:
0x0: {  	(tag) =	ssettag $0x1  }
0x1: {  	s0 =	rddreg [dreg:$0x0]  }
0x2: {  	s2 =	rddreg [dreg:$0x1]  }
0x3: {  	s10 =	stileid.u32;
	s1 =	srdreg.scid  }
0x4: {  	s3 =	simm.s32 $0x0;
	s14 =	simm.s32 $0x80;
	s15 =	simm.s32 $0x2000  }
0x5: {  	s16 =	simm.s32 $0x6000;
	s19 =	simm.s32 $0x3;
	s5 =	smul.u32 $0x2800, s10  }
0x6: {  	s22 =	simm.s32 $0x1;
	s1 =	sand.u32 $0x1, s1;
	s7 =	smul.u32 $0x50000, s10  }
0x7: {  	[smem:$0x7FF] =	sst s3;
	s4 =	sadd.s32 $0x7C600, s0;
	s23 =	smul.u32 $0xA000, s10  }
0x8: {  	s11 =	sadd.s32 $0x54600, s0;
	s26 =	sshll.u32 s10, $0x6;
	s6 =	smul.u32 $0x28000, s1  }
0x9: {  	_ =	strace $0x8000004A;
	s9 =	smul.u32 $0xA0000, s1;
	s1 =	ssub.s32 $0x2, s1  }
0xa: {  	s8 =	sadd.s32 s5, s0;
	s24 =	sshrl.u32 s1, $0x1;
	s7 =	sshrl.u32 s7, $0x2  }
0xb: {  	s5 =	sadd.s32 s5, s6;
	s1 =	ssub.s32 s1, s24;
	s12 =	sadd.s32 s7, s2  }
0xc: {  	s9 =	sadd.s32 s23, s9;
	s25 =	sadd.s32 $0xCC600, s8;
	s6 =	sor.u32 $0x1C06, s26  }
0xd: {  	s23 =	simm.s32 $0x4;
	s24 =	simm.s32 $0x2;
	s0 =	sadd.s32 s5, s0  }
.Ltmp0:
0xe: {  	[dreg:$0x3] =	wrdreg s25;
	s28 =	sshrl.u32 s9, $0x3;
	(pc) =	sbr.rel .LBB2_1-.Ltmp0, $4  }
0xf: {  	s29 =	sor.u32 $0x1000, s9;
	s13 =	sor.u32 $0x1200, s9;
	s9 =	smax.u32 s1, $0x1  }
0x10: {  	s12 =	sshrl.u32 s12, $0x3;
	s25 =	simm.s32 $0x0;
	s7 =	sadd.s32 s11, s28  }
0x11: {  	s8 =	sadd.s32 $0xF4600, s0;
	s30 =	sshrl.u32 s29, $0x3;
	s31 =	sshrl.u32 s13, $0x3  }
0x12: {  	s13 =	simm.s32 $0x6;
	s10 =	sadd.s32 s11, s30;
	s0 =	sadd.s32 s31, s11  }
.LBB2_4:
0x13: {  	_ =	swait.ge [sflag:s19], $0x4000  }
0x14: {  	[sflag:s19] =	ssyncset.done $0x0  }
0x15: {  	[sflag:s19] =	ssyncadd.s32 $0xFFFFC000  }
0x16: {  	_ =	swait.ge [sflag:s23], $0x4000  }
0x17: {  	s25 =	sadd.s32 $0x1, s25;
	[sflag:s23] =	ssyncset.done $0x0  }
0x18: {  	p0 =	sne.s32 s25, s9;
	[sflag:s23] =	ssyncadd.s32 $0xFFFFC000  }
.Ltmp1:
0x19: {  	[bflag:$0x0] =	sbarrier.arrive $0xFFFF;
	(pc) =	sbr.rel @!p0 .LBB2_5-.Ltmp1, $4  }
0x1a: {  	[hbm:s8], [sflag:s6] =	dma.local [spmem:s12], $0x2800  }
0x1b: {  	_ =	swait.ge [sflag:s13], $0x2800  }
0x1c: {  	[sflag:s13] =	ssyncset.done $0x0  }
0x1d: {  	[sflag:s13] =	ssyncadd.s32 $0xFFFFD800  }
.LBB2_1:
0x1e: {  	s1 =	rddreg [dreg:$0x3]  }
0x1f: {  	[spmem:s12], [sflag:s6] =	dma.local [hbm:s1], $0x2800  }
0x20: {  	_ =	swait.ge [sflag:s13], $0x2800  }
0x21: {  	[sflag:s13] =	ssyncset.done $0x0  }
0x22: {  	[sflag:s13] =	ssyncadd.s32 $0xFFFFD800  }
0x23: {  	[tilespmem:s3], [sflag:$0x6] =	stream.linear.gather [hbm4b:s7+s3], $0x1000, $0x38;
	[tilespmem:$0x1E000] =	vst v63  }
0x24: {  	_ =	swait.ge [sflag:s13], $0x1000  }
0x25: {  	[sflag:s13] =	ssyncset.done $0x0  }
0x26: {  	[sflag:s13] =	ssyncadd.s32 $0xFFFFF000  }
0x27: {  	[bflag:$0x0] =	sbarrier.arrive $0xFFFF  }
0x28: {  	[tilespmem:s15], [sflag:$0x1] =	stream.indirect.gather [hbm4b:s4+s14], $0x80, s3, s14, $0xb8;
	[tilespmem:$0x1E000] =	vst v63  }
0x29: {  	_ = 	snop  }
0x2a: {  	[tilespmem:s16], [sflag:$0x2] =	stream.indirect.gather [hbm4b:s4+s14], $0x80, s14, s14, $0xb8;
	[tilespmem:$0x1E000] =	vst v63  }
0x2b: {  	_ =	swait.ge [sflag:s22], $0x4000  }
0x2c: {  	[sflag:s22] =	ssyncset.done $0x0  }
0x2d: {  	s18 =	simm.s32 $0x800;
	[sflag:s22] =	ssyncadd.s32 $0xFFFFC000  }
0x2e: {  	[spmem:s2] =	stream.indirect.scatter.add.f32 [tilespmem:s15], [sflag:$0x3], $0x80, s18, s14, $0xb8;
	[tilespmem:$0x1E000] =	vst v63  }
0x2f: {  	_ =	swait.ge [sflag:s24], $0x4000  }
0x30: {  	[sflag:s24] =	ssyncset.done $0x0  }
0x31: {  	s20 =	simm.s32 $0x880;
	[sflag:s24] =	ssyncadd.s32 $0xFFFFC000  }
0x32: {  	[spmem:s2] =	stream.indirect.scatter.add.f32 [tilespmem:s16], [sflag:$0x4], $0x80, s20, s14, $0xb8;
	[tilespmem:$0x1E000] =	vst v63  }
0x33: {  	_ =	swait.ge [sflag:s19], $0x4000  }
0x34: {  	s21 =	simm.s32 $0x100;
	[sflag:s19] =	ssyncset.done $0x0  }
0x35: {  	s26 =	simm.s32 $0x1000;
	s28 =	simm.s32 $0x180;
	[sflag:s19] =	ssyncadd.s32 $0xFFFFC000  }
0x36: {  	[tilespmem:s15], [sflag:$0x1] =	stream.indirect.gather [hbm4b:s4+s14], $0x80, s21, s14, $0xb8;
	[tilespmem:$0x1E000] =	vst v63  }
0x37: {  	s29 =	simm.s32 $0x4;
	s30 =	simm.s32 $0x2;
	s31 =	simm.s32 $0x200  }
0x38: {  	[tilespmem:s26], [sflag:$0x5] =	stream.linear.gather [hbm4b:s10+s3], $0x1000, $0x38;
	[tilespmem:$0x1E000] =	vst v63  }
0x39: {  	s11 =	smov.u32 s0;
	s1 =	simm.s32 $0x1;
	s26 =	simm.s32 $0x200  }
.LBB2_2:
0x3a: {  	s17 =	sand.u32 $0x7, s1;
	p0 =	sgt.u32 s1, $0x47  }
0x3b: {  	p1 =	sne.s32 @!p0 s17, $0x7  }
0x3c: {  	p1 =	por p1, p0  }
0x3d: {  	s18 =	simm.s32 @!p1 $0x5  }
0x3e: {  	_ =	swait.ge @!p1 [sflag:s18], $0x1000  }
0x3f: {  	[sflag:s18] =	ssyncset.done @!p1 $0x0  }
0x40: {  	[sflag:s18] =	ssyncadd.s32 @!p1 $0xFFFFF000  }
0x41: {  	s20 =	sshll.u32 s17, $0x8;
	s18 =	sand.u32 $0x1000, s31;
	_ =	swait.ge [sflag:s22], $0x4000  }
0x42: {  	s20 =	sor.u32 s20, s18;
	[sflag:s22] =	ssyncset.done $0x0  }
0x43: {  	s21 =	sor.u32 $0x800, s20;
	[sflag:s22] =	ssyncadd.s32 $0xFFFFC000  }
0x44: {  	[spmem:s2] =	stream.indirect.scatter.add.f32 [tilespmem:s15], [sflag:$0x3], $0x80, s21, s14, $0xb8;
	[tilespmem:$0x1E000] =	vst v63  }
0x45: {  	s5 =	sshll.u32 s30, $0x9;
	s21 =	sshll.u32 s31, $0x2  }
0x46: {  	s5 =	sand.u32 $0xFFFFE000, s5;
	s21 =	sand.u32 $0x4000, s21  }
0x47: {  	_ =	swait.ge [sflag:s23], $0x4000;
	s5 =	ssub.s32 s21, s5  }
0x48: {  	[sflag:s23] =	ssyncset.done $0x0;
	s5 =	sshra.s32 s5, $0x2  }
0x49: {  	p1 =	seq.s32 s29, $0xA0;
	[sflag:s23] =	ssyncadd.s32 $0xFFFFC000;
	s5 =	sadd.s32 s5, s28  }
0x4a: {  	[tilespmem:s16], [sflag:$0x2] =	stream.indirect.gather [hbm4b:s4+s14], $0x80, s5, s14, $0xb8;
	[tilespmem:$0x1E000] =	vst v63  }
.Ltmp2:
0x4b: {  	_ = 	snop;
	(pc) =	sbr.rel @p1 .LBB2_4-.Ltmp2, $4  }
0x4c: {  	_ =	swait.ge [sflag:s24], $0x4000  }
0x4d: {  	[sflag:s24] =	ssyncset.done $0x0  }
0x4e: {  	s21 =	sor.u32 $0x880, s20;
	[sflag:s24] =	ssyncadd.s32 $0xFFFFC000  }
0x4f: {  	[spmem:s2] =	stream.indirect.scatter.add.f32 [tilespmem:s16], [sflag:$0x4], $0x80, s21, s14, $0xb8;
	[tilespmem:$0x1E000] =	vst v63  }
0x50: {  	s5 =	sshll.u32 s29, $0xA  }
0x51: {  	s20 =	sshll.u32 s29, $0x9;
	_ =	swait.ge [sflag:s19], $0x4000;
	p1 =	sne.s32 @!p0 s17, $0x0  }
0x52: {  	s1 =	sadd.s32 $0x1, s1;
	s5 =	sand.u32 $0x4000, s5;
	s20 =	sand.u32 $0xFFFFE000, s20  }
0x53: {  	s31 =	sadd.s32 $0x200, s31;
	s28 =	sadd.s32 $0x100, s28;
	s5 =	ssub.s32 s5, s20  }
0x54: {  	[sflag:s19] =	ssyncset.done $0x0;
	p0 =	por p1, p0;
	s5 =	sshra.s32 s5, $0x2  }
.Ltmp3:
0x55: {  	[sflag:s19] =	ssyncadd.s32 $0xFFFFC000;
	s5 =	sadd.s32 s5, s26;
	(pc) =	sbr.rel .LBB2_2-.Ltmp3, $4  }
0x56: {  	[tilespmem:s15], [sflag:$0x1] =	stream.indirect.gather [hbm4b:s4+s14], $0x80, s5, s14, $0xb8;
	[tilespmem:$0x1E000] =	vst v63  }
0x57: {  	s30 =	sadd.s32 $0x2, s30;
	s17 =	simm.s32 @!p0 $0x0;
	s5 =	ssub.s32 @!p0 $0x1000, s18  }
0x58: {  	[tilespmem:s5], [sflag:$0x5] =	stream.linear.gather @!p0 [hbm4b:s11+s17], $0x1000, $0x38;
	[tilespmem:$0x1E000] =	vst v63  }
0x59: {  	s29 =	sadd.s32 $0x2, s29;
	s26 =	sadd.s32 $0x100, s26;
	s11 =	sadd.s32 $0x40, s11  }
.LBB2_5:
0x5a: {  	_ =	sfence.sel $0x180000  }
0x5b: {  	[bflag:$0x0] =	sbarrier.arrive $0xFFFF  }
0x5c: {  	_ =	strace $0x9000004A  }
0x5d: {  	s0 =	stileid.u32;
	[bflag:$0x2] =	sbarrier.arrive $0xFFFF  }
0x5e: {  	p0 =	sne.s32 s0, $0x0;
	s0 =	rddreg [dreg:$0x2]  }
0x5f: {  	s0 =	sadd.s32 @!p0 $0x100000, s0  }
0x60: {  	[sflag:s0] =	ssyncadd.tile.s32 @!p0 $0x1;
	_ =	shalt  }
.Lfunc_end2:
_tile_overlayer_lowered:
.L_overlay_start_2:
0x61: {  	(tag) =	ssettag $0x2  }
0x62: {  	s0 =	rddreg [dreg:$0x0];
	s2 =	stileid.u32  }
0x63: {  	s1 =	rddreg [dreg:$0x1];
	p0 =	sne.s32 s2, $0x0  }
0x64: {  	s3 =	rddreg [dreg:$0x2];
	[bflag:$0x3] =	sbarrier.arrive $0xFFFF;
	s2 =	simm.s32 @!p0 $0x1C06  }
0x65: {  	[timem:s3], [sflag:s2] =	dma.local @!p0 [hbm:s0], s1  }
0x66: {  	s0 =	simm.s32 @!p0 $0x6  }
0x67: {  	_ =	swait.ge @!p0 [sflag:s0], s1  }
0x68: {  	s1 =	ssub.s32 @!p0 $0x0, s1;
	[sflag:s0] =	ssyncset.done @!p0 $0x0  }
0x69: {  	[sflag:s0] =	ssyncadd.s32 @!p0 s1  }
0x6a: {  	[bflag:$0x3] =	sbarrier.arrive $0xFFFF  }
0x6b: {  	_ =	shalt  }

// kernel: kernel.15.cloned.1.call-start
scs
__scs_entry_jumppad:
0x0: {  	(pc) =	sbr.rel $0x88, $3  }
0x1: {  	(tag) =	ssettag $0x0;
	lr =	simm.s32 $0x1  }
0x2: {  	[smem:$0x3F94] =	sst lr;
	_ =	strace $0xD0000000  }
0x3: {  	_ = 	snop  }
0x4: {  	_ = 	snop  }
0x5: {  	_ = 	snop  }
0x6: {  	_ = 	snop  }
0x7: {  	_ = 	snop  }
__scs_overlays_trampoline_lowered:
0x8: {  	[smem:$0x3FA3] =	sst s0  }
0x9: {  	[smem:$0x3FA4] =	sst s1  }
0xa: {  	[smem:$0x3FA5] =	sst s2  }
0xb: {  	[smem:$0x3FA6] =	sst s3  }
0xc: {  	[smem:$0x3FA7] =	sst s4  }
0xd: {  	[smem:$0x3FA8] =	sst s5  }
0xe: {  	[smem:$0x3FA9] =	sst s6  }
0xf: {  	[smem:$0x3FAA] =	sst s7  }
0x10: {  	[smem:$0x3FAB] =	sst s8  }
0x11: {  	[smem:$0x3FAC] =	sst s9;
	s0 =	simm.s32 @!p0 $0x0  }
0x12: {  	s1 =	sld [smem:$0x3F92];
	s0 =	simm.s32 @p0 $0x1  }
0x13: {  	[smem:$0x3FAD] =	sst s0;
	s0 =	simm.s32 @!p1 $0x0  }
0x14: {  	s2 =	sld [smem:$0x3F91];
	s0 =	simm.s32 @p1 $0x1  }
0x15: {  	[smem:$0x3FAE] =	sst s0;
	s0 =	simm.s32 @!p2 $0x0  }
0x16: {  	s3 =	sld [smem:$0x3FDB];
	s0 =	simm.s32 @p2 $0x1  }
0x17: {  	s4 =	simm.s32 $0x1BF5;
	[smem:$0x3FB0] =	sst s0  }
0x18: {  	s0 =	sld [smem:$0x3F93];
	_ =	swait.ge [sflag:s4], $0x0  }
0x19: {  	s7 =	sld [smem:$0x3F94]  }
0x1a: {  	s8 =	sadd.s32 $0xFFFFE003, lr  }
0x1b: {  	s9 =	sadd.s32 $0xFFFFFEF7, lr;
	s5 =	simm.s32 $0xFFFFFFFF;
	p2 =	slt.u32 s8, $0xFFFFF086  }
0x1c: {  	p1 =	slt.u32 s9, $0xF7A;
	s5 =	simm.s32 @!p2 $0x0  }
0x1d: {  	s5 =	simm.s32 @p1 $0x1;
	p0 =	seq.s32 s7, s2  }
0x1e: {  	s7 =	smul.u32 @!p0 $0xF7A, s2;
	p2 =	seq.s32 @!p0 s5, $0x0  }
0x1f: {  	s9 =	smul.u32 $0xF7A, s1;
	s8 =	simm.s32 @!p0 $0x1BF5;
	p2 =	por !p2, p0  }
0x20: {  	[sflag:s8] =	ssyncset.s32 @!p0 $0xFFFFF086;
	s6 =	sadd.s32 @!p0 s3, s7;
	s7 =	simm.s32 @!p0 $0x108  }
0x21: {  	s3 =	sadd.s32 s3, s9;
	s6 =	sadd.s32 @!p0 $0x88, s6;
	s7 =	simm.s32 @p2 $0x1082  }
0x22: {  	[simem:s7], [sflag:s8] =	dma.local @!p0 [hbm:s6], $0xF7A  }
0x23: {  	s9 =	sor.u32 $0xD0000000, s2;
	s6 =	simm.s32 $0x108;
	_ =	swait.ge @!p0 [sflag:s8], $0x0  }
0x24: {  	s3 =	sadd.s32 $0x88, s3;
	s6 =	simm.s32 @!p1 $0x1082;
	[sflag:s4] =	ssyncset.s32 $0xFFFFF086  }
0x25: {  	[simem:s6], [sflag:s4] =	dma.local [hbm:s3], $0xF7A  }
0x26: {  	[smem:$0x3F94] =	sst s1;
	(tag) =	ssettag s2;
	_ =	strace s9  }
0x27: {  	s1 =	sld [smem:$0x3FA4]  }
0x28: {  	s2 =	sld [smem:$0x3FA5]  }
0x29: {  	s4 =	sld [smem:$0x3FA7]  }
0x2a: {  	p0 =	seq.s32 s5, $0x0;
	s5 =	sld [smem:$0x3FA8]  }
0x2b: {  	s6 =	sld [smem:$0x3FA9]  }
0x2c: {  	s7 =	sld [smem:$0x3FAA]  }
0x2d: {  	s3 =	simm.s32 $0x108;
	s8 =	sld [smem:$0x3FAB]  }
0x2e: {  	s3 =	simm.s32 @!p0 $0x1082;
	s9 =	sld [smem:$0x3FAC]  }
0x2f: {  	lr =	sadd.s32 s0, s3;
	s0 =	sld [smem:$0x3FA3]  }
0x30: {  	s3 =	sld [smem:$0x3FA6]  }
0x31: {  	[smem:$0x3FAF] =	sst s10  }
0x32: {  	s10 =	sld [smem:$0x3FAD];
	_ =	sdelay $0x3  }
0x33: {  	p0 =	seq.s32 s10, $0x1;
	s10 =	sld [smem:$0x3FAF];
	_ =	sdelay $0x3  }
0x34: {  	[smem:$0x3FAF] =	sst s10  }
0x35: {  	s10 =	sld [smem:$0x3FAE];
	_ =	sdelay $0x3  }
0x36: {  	p1 =	seq.s32 s10, $0x1;
	s10 =	sld [smem:$0x3FAF];
	_ =	sdelay $0x3  }
0x37: {  	[smem:$0x3FAF] =	sst s10  }
0x38: {  	s10 =	sld [smem:$0x3FB0]  }
0x39: {  	_ = 	snop;
	(pc) =	sbr.ind lr, $3  }
0x3a: {  	_ = 	snop  }
0x3b: {  	_ = 	snop  }
0x3c: {  	p2 =	seq.s32 s10, $0x1;
	s10 =	sld [smem:$0x3FAF]  }
0x3d: {  	_ =	shalt  }
0x3e: {  	_ =	shalt  }
0x3f: {  	_ =	shalt  }
0x40: {  	_ =	shalt  }
0x41: {  	_ =	shalt  }
0x42: {  	_ =	shalt  }
0x43: {  	_ =	shalt  }
0x44: {  	_ =	shalt  }
0x45: {  	_ =	shalt  }
0x46: {  	_ =	shalt  }
0x47: {  	_ =	shalt  }
0x48: {  	_ =	shalt  }
0x49: {  	_ =	shalt  }
0x4a: {  	_ =	shalt  }
0x4b: {  	_ =	shalt  }
0x4c: {  	_ =	shalt  }
0x4d: {  	_ =	shalt  }
0x4e: {  	_ =	shalt  }
0x4f: {  	_ =	shalt  }
0x50: {  	_ =	shalt  }
0x51: {  	_ =	shalt  }
0x52: {  	_ =	shalt  }
0x53: {  	_ =	shalt  }
0x54: {  	_ =	shalt  }
0x55: {  	_ =	shalt  }
0x56: {  	_ =	shalt  }
0x57: {  	_ =	shalt  }
0x58: {  	_ =	shalt  }
0x59: {  	_ =	shalt  }
0x5a: {  	_ =	shalt  }
0x5b: {  	_ =	shalt  }
0x5c: {  	_ =	shalt  }
0x5d: {  	_ =	shalt  }
0x5e: {  	_ =	shalt  }
0x5f: {  	_ =	shalt  }
0x60: {  	_ =	shalt  }
0x61: {  	_ =	shalt  }
0x62: {  	_ =	shalt  }
0x63: {  	_ =	shalt  }
0x64: {  	_ =	shalt  }
0x65: {  	_ =	shalt  }
0x66: {  	_ =	shalt  }
0x67: {  	_ =	shalt  }
0x68: {  	_ =	shalt  }
0x69: {  	_ =	shalt  }
0x6a: {  	_ =	shalt  }
0x6b: {  	_ =	shalt  }
0x6c: {  	_ =	shalt  }
0x6d: {  	_ =	shalt  }
0x6e: {  	_ =	shalt  }
0x6f: {  	_ =	shalt  }
0x70: {  	_ =	shalt  }
0x71: {  	_ =	shalt  }
0x72: {  	_ =	shalt  }
0x73: {  	_ =	shalt  }
0x74: {  	_ =	shalt  }
0x75: {  	_ =	shalt  }
0x76: {  	_ =	shalt  }
0x77: {  	_ =	shalt  }
0x78: {  	_ =	shalt  }
0x79: {  	_ =	shalt  }
0x7a: {  	_ =	shalt  }
0x7b: {  	_ =	shalt  }
0x7c: {  	_ =	shalt  }
0x7d: {  	_ =	shalt  }
0x7e: {  	_ =	shalt  }
0x7f: {  	_ =	shalt  }
0x80: {  	_ =	shalt  }
0x81: {  	_ =	shalt  }
0x82: {  	_ =	shalt  }
0x83: {  	_ =	shalt  }
0x84: {  	_ =	shalt  }
0x85: {  	_ =	shalt  }
0x86: {  	_ =	shalt  }
0x87: {  	_ =	shalt  }
.Lfunc_end0:
.L_simem_size_0:
called_computation.2_lowered:
.L_overlay_start_0:
0x88: {  	s2 =	sld [smem:$0x3FD9]  }
0x89: {  	s3 =	sld [smem:$0x3FFE];
	_ =	sdelay $0x1  }
0x8a: {  	s1 =	srdreg.scid  }
0x8b: {  	s0 =	sand.u32 $0x1, s1  }
0x8c: {  	s16 =	sshll.u32 s0, $0xA;
	s2 =	sadd.s32 s3, s2  }
0x8d: {  	s2 =	sadd.s32 s2, s16  }
0x8e: {  	[smem:$0x3FBB] =	sst s2  }
0x8f: {  	_ = 	snop  }
0x90: {  	(tm) =	ssettm $0x1  }
0x91: {  	s17 =	sld [smem:$0x3FFB];
	_ =	sdelay $0x3  }
0x92: {  	_ =	strace s17  }
0x93: {  	s2 =	sld [smem:$0x3FFC];
	_ =	sdelay $0x3  }
0x94: {  	_ =	strace s2  }
0x95: {  	s2 =	sld [smem:$0x3FFD];
	_ =	sdelay $0x3  }
0x96: {  	_ =	strace s2  }
0x97: {  	_ =	strace $0x8FFFFFFF  }
0x98: {  	s18 =	sld [smem:$0x3FDB];
	_ =	sdelay $0x1  }
0x99: {  	s19 =	simm.s32 $_scs_section_size  }
0x9a: {  	s4 =	simm.s32 $_size__tile_overlayer_lowered;
	s5 =	simm.s32 $_tile_overlayer_lowered  }
0x9b: {  	s22 =	simm.s32 $0x1BFF;
	s21 =	sshll.u32 s5, $0x1;
	s2 =	sadd.s32 s19, s18  }
0x9c: {  	s6 =	simm.s32 $0x0;
	s20 =	sshll.u32 s4, $0x1;
	s4 =	sadd.s32 s21, s2  }
0x9d: {  	[timem:s6], [sflag:s22] =	dma.local [hbm:s4], s20  }
0x9e: {  	_ =	swait.ge [sflag:s22], s20  }
0x9f: {  	s3 =	ssub.s32 $0x0, s20;
	[sflag:s22] =	ssyncset.done $0x0  }
0xa0: {  	[sflag:s22] =	ssyncadd.s32 s3;
	_ =	sdelay $0x1  }
0xa1: {  	s23 =	simm.s32 $0x1B8B  }
0xa2: {  	_ =	swait.ge [sflag:s23], $0x1  }
0xa3: {  	[sflag:s23] =	ssyncset.done $0x0  }
0xa4: {  	s25 =	simm.s32 $0x1B8E;
	s24 =	sld [smem:$0x3FFE];
	[sflag:s23] =	ssyncadd.s32 $0xFFFFFFFF  }
0xa5: {  	s26 =	simm.s32 $execute0_lowered;
	[smem:$0x3FD2] =	sst s25  }
0xa6: {  	s4 =	sshll.u32 s26, $0x1;
	_ =	strace $0x8000004C;
	[dreg:$0x1] =	wrdreg $0xFFFFFFFF  }
0xa7: {  	s28 =	simm.s32 $_size_execute0_lowered;
	s2 =	sadd.s32 s2, s4;
	[dreg:$0x0] =	wrdreg $0x0  }
0xa8: {  	s4 =	sshll.u32 s28, $0x1;
	[dreg:$0x2] =	wrdreg s2  }
0xa9: {  	[dreg:$0x3] =	wrdreg s4  }
0xaa: {  	[dreg:$0x4] =	wrdreg $0xC0  }
0xab: {  	_ =	task [dreg:s6], $0x5FFFF  }
0xac: {  	[dreg:$0x1] =	wrdreg $0xFFFFFFFF  }
0xad: {  	[dreg:$0x0] =	wrdreg $0x60  }
0xae: {  	[dreg:$0x2] =	wrdreg s24  }
0xaf: {  	[dreg:$0x3] =	wrdreg $0xA0000  }
0xb0: {  	[dreg:$0x4] =	wrdreg $0x9  }
0xb1: {  	_ =	task.clear_ibuf [dreg:s6], $0x5FFFF;
	_ =	strace $0x9000004C  }
0xb2: {  	s29 =	simm.s32 $0x9;
	_ =	strace $0x8000004E  }
0xb3: {  	_ =	swait.ge [sflag:s29], $0x1  }
0xb4: {  	[sflag:s29] =	ssyncadd.s32 $0xFFFFFFFF  }
0xb5: {  	_ =	strace $0x9000004E  }
0xb6: {  	_ =	sfence  }
0xb7: {  	s30 =	sld [smem:$0x0];
	_ =	sdelay $0x2  }
0xb8: {  	s31 =	sshll.u32 s1, $0xD;
	s1 =	sshrl.u32 s1, $0x2  }
0xb9: {  	s3 =	sand.u32 $0x4000, s31;
	s1 =	sadd.s32 s1, s30  }
0xba: {  	s0 =	sor.u32 s3, s0;
	s1 =	sshll.u32 s1, $0x11  }
0xbb: {  	s0 =	sor.u32 s1, s0  }
0xbc: {  	s0 =	sadd.s32 $0x8F2B, s0  }
0xbd: {  	[sflag:s0] =	ssyncadd.remote.s32 $0x1  }
0xbe: {  	_ =	sfence.sel $0xFFFF  }
0xbf: {  	[dreg:$0x0] =	wrdreg $0xFFFFFFFF;
	(pc) =	sbr.abs _section_cstart, $3  }
0xc0: {  	[dreg:$0x1] =	wrdreg $0xFFFFFFFF  }
0xc1: {  	_ =	task.clear_ibuf [dreg:s6], $0x2FFFF;
	_ =	strace $0x9FFFFFFF  }
0xc2: {  	(tm) =	ssettm $0x7FFFFFFF  }
0xc3: {  	_ =	shalt  }
tec
execute0_lowered:
.L_overlay_start_1:
0x0: {  	(tag) =	ssettag $0x1  }
0x1: {  	s0 =	rddreg [dreg:$0x0]  }
0x2: {  	s2 =	rddreg [dreg:$0x1]  }
0x3: {  	s10 =	stileid.u32;
	s1 =	srdreg.scid  }
0x4: {  	s3 =	simm.s32 $0x0;
	s14 =	simm.s32 $0x80;
	s15 =	simm.s32 $0x2000  }
0x5: {  	s16 =	simm.s32 $0x6000;
	s19 =	simm.s32 $0x3;
	s5 =	smul.u32 $0x2800, s10  }
0x6: {  	s22 =	simm.s32 $0x1;
	s1 =	sand.u32 $0x1, s1;
	s7 =	smul.u32 $0x50000, s10  }
0x7: {  	[smem:$0x7FF] =	sst s3;
	s4 =	sadd.s32 $0x7C600, s0;
	s23 =	smul.u32 $0xA000, s10  }
0x8: {  	s11 =	sadd.s32 $0x54600, s0;
	s26 =	sshll.u32 s10, $0x6;
	s6 =	smul.u32 $0x28000, s1  }
0x9: {  	_ =	strace $0x8000004D;
	s9 =	smul.u32 $0xA0000, s1;
	s1 =	ssub.s32 $0x2, s1  }
0xa: {  	s8 =	sadd.s32 s5, s0;
	s24 =	sshrl.u32 s1, $0x1;
	s7 =	sshrl.u32 s7, $0x2  }
0xb: {  	s5 =	sadd.s32 s5, s6;
	s1 =	ssub.s32 s1, s24;
	s12 =	sadd.s32 s7, s2  }
0xc: {  	s9 =	sadd.s32 s23, s9;
	s25 =	sadd.s32 $0xCC600, s8;
	s6 =	sor.u32 $0x1C06, s26  }
0xd: {  	s23 =	simm.s32 $0x4;
	s24 =	simm.s32 $0x2;
	s0 =	sadd.s32 s5, s0  }
.Ltmp0:
0xe: {  	[dreg:$0x3] =	wrdreg s25;
	s28 =	sshrl.u32 s9, $0x3;
	(pc) =	sbr.rel .LBB2_1-.Ltmp0, $4  }
0xf: {  	s29 =	sor.u32 $0x1000, s9;
	s13 =	sor.u32 $0x1200, s9;
	s9 =	smax.u32 s1, $0x1  }
0x10: {  	s12 =	sshrl.u32 s12, $0x3;
	s25 =	simm.s32 $0x0;
	s7 =	sadd.s32 s11, s28  }
0x11: {  	s8 =	sadd.s32 $0xF4600, s0;
	s30 =	sshrl.u32 s29, $0x3;
	s31 =	sshrl.u32 s13, $0x3  }
0x12: {  	s13 =	simm.s32 $0x6;
	s10 =	sadd.s32 s11, s30;
	s0 =	sadd.s32 s31, s11  }
.LBB2_4:
0x13: {  	_ =	swait.ge [sflag:s19], $0x4000  }
0x14: {  	[sflag:s19] =	ssyncset.done $0x0  }
0x15: {  	[sflag:s19] =	ssyncadd.s32 $0xFFFFC000  }
0x16: {  	_ =	swait.ge [sflag:s23], $0x4000  }
0x17: {  	s25 =	sadd.s32 $0x1, s25;
	[sflag:s23] =	ssyncset.done $0x0  }
0x18: {  	p0 =	sne.s32 s25, s9;
	[sflag:s23] =	ssyncadd.s32 $0xFFFFC000  }
.Ltmp1:
0x19: {  	[bflag:$0x0] =	sbarrier.arrive $0xFFFF;
	(pc) =	sbr.rel @!p0 .LBB2_5-.Ltmp1, $4  }
0x1a: {  	[hbm:s8], [sflag:s6] =	dma.local [spmem:s12], $0x2800  }
0x1b: {  	_ =	swait.ge [sflag:s13], $0x2800  }
0x1c: {  	[sflag:s13] =	ssyncset.done $0x0  }
0x1d: {  	[sflag:s13] =	ssyncadd.s32 $0xFFFFD800  }
.LBB2_1:
0x1e: {  	s1 =	rddreg [dreg:$0x3]  }
0x1f: {  	[spmem:s12], [sflag:s6] =	dma.local [hbm:s1], $0x2800  }
0x20: {  	_ =	swait.ge [sflag:s13], $0x2800  }
0x21: {  	[sflag:s13] =	ssyncset.done $0x0  }
0x22: {  	[sflag:s13] =	ssyncadd.s32 $0xFFFFD800  }
0x23: {  	[tilespmem:s3], [sflag:$0x6] =	stream.linear.gather [hbm4b:s7+s3], $0x1000, $0x38;
	[tilespmem:$0x1E000] =	vst v63  }
0x24: {  	_ =	swait.ge [sflag:s13], $0x1000  }
0x25: {  	[sflag:s13] =	ssyncset.done $0x0  }
0x26: {  	[sflag:s13] =	ssyncadd.s32 $0xFFFFF000  }
0x27: {  	[bflag:$0x0] =	sbarrier.arrive $0xFFFF  }
0x28: {  	[tilespmem:s15], [sflag:$0x1] =	stream.indirect.gather [hbm4b:s4+s14], $0x80, s3, s14, $0xb8;
	[tilespmem:$0x1E000] =	vst v63  }
0x29: {  	_ = 	snop  }
0x2a: {  	[tilespmem:s16], [sflag:$0x2] =	stream.indirect.gather [hbm4b:s4+s14], $0x80, s14, s14, $0xb8;
	[tilespmem:$0x1E000] =	vst v63  }
0x2b: {  	_ =	swait.ge [sflag:s22], $0x4000  }
0x2c: {  	[sflag:s22] =	ssyncset.done $0x0  }
0x2d: {  	s18 =	simm.s32 $0x800;
	[sflag:s22] =	ssyncadd.s32 $0xFFFFC000  }
0x2e: {  	[spmem:s2] =	stream.indirect.scatter.add.f32 [tilespmem:s15], [sflag:$0x3], $0x80, s18, s14, $0xb8;
	[tilespmem:$0x1E000] =	vst v63  }
0x2f: {  	_ =	swait.ge [sflag:s24], $0x4000  }
0x30: {  	[sflag:s24] =	ssyncset.done $0x0  }
0x31: {  	s20 =	simm.s32 $0x880;
	[sflag:s24] =	ssyncadd.s32 $0xFFFFC000  }
0x32: {  	[spmem:s2] =	stream.indirect.scatter.add.f32 [tilespmem:s16], [sflag:$0x4], $0x80, s20, s14, $0xb8;
	[tilespmem:$0x1E000] =	vst v63  }
0x33: {  	_ =	swait.ge [sflag:s19], $0x4000  }
0x34: {  	s21 =	simm.s32 $0x100;
	[sflag:s19] =	ssyncset.done $0x0  }
0x35: {  	s26 =	simm.s32 $0x1000;
	s28 =	simm.s32 $0x180;
	[sflag:s19] =	ssyncadd.s32 $0xFFFFC000  }
0x36: {  	[tilespmem:s15], [sflag:$0x1] =	stream.indirect.gather [hbm4b:s4+s14], $0x80, s21, s14, $0xb8;
	[tilespmem:$0x1E000] =	vst v63  }
0x37: {  	s29 =	simm.s32 $0x4;
	s30 =	simm.s32 $0x2;
	s31 =	simm.s32 $0x200  }
0x38: {  	[tilespmem:s26], [sflag:$0x5] =	stream.linear.gather [hbm4b:s10+s3], $0x1000, $0x38;
	[tilespmem:$0x1E000] =	vst v63  }
0x39: {  	s11 =	smov.u32 s0;
	s1 =	simm.s32 $0x1;
	s26 =	simm.s32 $0x200  }
.LBB2_2:
0x3a: {  	s17 =	sand.u32 $0x7, s1;
	p0 =	sgt.u32 s1, $0x47  }
0x3b: {  	p1 =	sne.s32 @!p0 s17, $0x7  }
0x3c: {  	p1 =	por p1, p0  }
0x3d: {  	s18 =	simm.s32 @!p1 $0x5  }
0x3e: {  	_ =	swait.ge @!p1 [sflag:s18], $0x1000  }
0x3f: {  	[sflag:s18] =	ssyncset.done @!p1 $0x0  }
0x40: {  	[sflag:s18] =	ssyncadd.s32 @!p1 $0xFFFFF000  }
0x41: {  	s20 =	sshll.u32 s17, $0x8;
	s18 =	sand.u32 $0x1000, s31;
	_ =	swait.ge [sflag:s22], $0x4000  }
0x42: {  	s20 =	sor.u32 s20, s18;
	[sflag:s22] =	ssyncset.done $0x0  }
0x43: {  	s21 =	sor.u32 $0x800, s20;
	[sflag:s22] =	ssyncadd.s32 $0xFFFFC000  }
0x44: {  	[spmem:s2] =	stream.indirect.scatter.add.f32 [tilespmem:s15], [sflag:$0x3], $0x80, s21, s14, $0xb8;
	[tilespmem:$0x1E000] =	vst v63  }
0x45: {  	s5 =	sshll.u32 s30, $0x9;
	s21 =	sshll.u32 s31, $0x2  }
0x46: {  	s5 =	sand.u32 $0xFFFFE000, s5;
	s21 =	sand.u32 $0x4000, s21  }
0x47: {  	_ =	swait.ge [sflag:s23], $0x4000;
	s5 =	ssub.s32 s21, s5  }
0x48: {  	[sflag:s23] =	ssyncset.done $0x0;
	s5 =	sshra.s32 s5, $0x2  }
0x49: {  	p1 =	seq.s32 s29, $0xA0;
	[sflag:s23] =	ssyncadd.s32 $0xFFFFC000;
	s5 =	sadd.s32 s5, s28  }
0x4a: {  	[tilespmem:s16], [sflag:$0x2] =	stream.indirect.gather [hbm4b:s4+s14], $0x80, s5, s14, $0xb8;
	[tilespmem:$0x1E000] =	vst v63  }
.Ltmp2:
0x4b: {  	_ = 	snop;
	(pc) =	sbr.rel @p1 .LBB2_4-.Ltmp2, $4  }
0x4c: {  	_ =	swait.ge [sflag:s24], $0x4000  }
0x4d: {  	[sflag:s24] =	ssyncset.done $0x0  }
0x4e: {  	s21 =	sor.u32 $0x880, s20;
	[sflag:s24] =	ssyncadd.s32 $0xFFFFC000  }
0x4f: {  	[spmem:s2] =	stream.indirect.scatter.add.f32 [tilespmem:s16], [sflag:$0x4], $0x80, s21, s14, $0xb8;
	[tilespmem:$0x1E000] =	vst v63  }
0x50: {  	s5 =	sshll.u32 s29, $0xA  }
0x51: {  	s20 =	sshll.u32 s29, $0x9;
	_ =	swait.ge [sflag:s19], $0x4000;
	p1 =	sne.s32 @!p0 s17, $0x0  }
0x52: {  	s1 =	sadd.s32 $0x1, s1;
	s5 =	sand.u32 $0x4000, s5;
	s20 =	sand.u32 $0xFFFFE000, s20  }
0x53: {  	s31 =	sadd.s32 $0x200, s31;
	s28 =	sadd.s32 $0x100, s28;
	s5 =	ssub.s32 s5, s20  }
0x54: {  	[sflag:s19] =	ssyncset.done $0x0;
	p0 =	por p1, p0;
	s5 =	sshra.s32 s5, $0x2  }
.Ltmp3:
0x55: {  	[sflag:s19] =	ssyncadd.s32 $0xFFFFC000;
	s5 =	sadd.s32 s5, s26;
	(pc) =	sbr.rel .LBB2_2-.Ltmp3, $4  }
0x56: {  	[tilespmem:s15], [sflag:$0x1] =	stream.indirect.gather [hbm4b:s4+s14], $0x80, s5, s14, $0xb8;
	[tilespmem:$0x1E000] =	vst v63  }
0x57: {  	s30 =	sadd.s32 $0x2, s30;
	s17 =	simm.s32 @!p0 $0x0;
	s5 =	ssub.s32 @!p0 $0x1000, s18  }
0x58: {  	[tilespmem:s5], [sflag:$0x5] =	stream.linear.gather @!p0 [hbm4b:s11+s17], $0x1000, $0x38;
	[tilespmem:$0x1E000] =	vst v63  }
0x59: {  	s29 =	sadd.s32 $0x2, s29;
	s26 =	sadd.s32 $0x100, s26;
	s11 =	sadd.s32 $0x40, s11  }
.LBB2_5:
0x5a: {  	_ =	sfence.sel $0x180000  }
0x5b: {  	[bflag:$0x0] =	sbarrier.arrive $0xFFFF  }
0x5c: {  	_ =	strace $0x9000004D  }
0x5d: {  	s0 =	stileid.u32;
	[bflag:$0x2] =	sbarrier.arrive $0xFFFF  }
0x5e: {  	p0 =	sne.s32 s0, $0x0;
	s0 =	rddreg [dreg:$0x2]  }
0x5f: {  	s0 =	sadd.s32 @!p0 $0x100000, s0  }
0x60: {  	[sflag:s0] =	ssyncadd.tile.s32 @!p0 $0x1;
	_ =	shalt  }
.Lfunc_end2:
_tile_overlayer_lowered:
.L_overlay_start_2:
0x61: {  	(tag) =	ssettag $0x2  }
0x62: {  	s0 =	rddreg [dreg:$0x0];
	s2 =	stileid.u32  }
0x63: {  	s1 =	rddreg [dreg:$0x1];
	p0 =	sne.s32 s2, $0x0  }
0x64: {  	s3 =	rddreg [dreg:$0x2];
	[bflag:$0x3] =	sbarrier.arrive $0xFFFF;
	s2 =	simm.s32 @!p0 $0x1C06  }
0x65: {  	[timem:s3], [sflag:s2] =	dma.local @!p0 [hbm:s0], s1  }
0x66: {  	s0 =	simm.s32 @!p0 $0x6  }
0x67: {  	_ =	swait.ge @!p0 [sflag:s0], s1  }
0x68: {  	s1 =	ssub.s32 @!p0 $0x0, s1;
	[sflag:s0] =	ssyncset.done @!p0 $0x0  }
0x69: {  	[sflag:s0] =	ssyncadd.s32 @!p0 s1  }
0x6a: {  	[bflag:$0x3] =	sbarrier.arrive $0xFFFF  }
0x6b: {  	_ =	shalt  }

// kernel: kernel.9.cloned.1.call-start
scs
__scs_entry_jumppad:
0x0: {  	(pc) =	sbr.rel $0x88, $3  }
0x1: {  	(tag) =	ssettag $0x0;
	lr =	simm.s32 $0x1  }
0x2: {  	[smem:$0x3F94] =	sst lr;
	_ =	strace $0xD0000000  }
0x3: {  	_ = 	snop  }
0x4: {  	_ = 	snop  }
0x5: {  	_ = 	snop  }
0x6: {  	_ = 	snop  }
0x7: {  	_ = 	snop  }
__scs_overlays_trampoline_lowered:
0x8: {  	[smem:$0x3FA3] =	sst s0  }
0x9: {  	[smem:$0x3FA4] =	sst s1  }
0xa: {  	[smem:$0x3FA5] =	sst s2  }
0xb: {  	[smem:$0x3FA6] =	sst s3  }
0xc: {  	[smem:$0x3FA7] =	sst s4  }
0xd: {  	[smem:$0x3FA8] =	sst s5  }
0xe: {  	[smem:$0x3FA9] =	sst s6  }
0xf: {  	[smem:$0x3FAA] =	sst s7  }
0x10: {  	[smem:$0x3FAB] =	sst s8  }
0x11: {  	[smem:$0x3FAC] =	sst s9;
	s0 =	simm.s32 @!p0 $0x0  }
0x12: {  	s1 =	sld [smem:$0x3F92];
	s0 =	simm.s32 @p0 $0x1  }
0x13: {  	[smem:$0x3FAD] =	sst s0;
	s0 =	simm.s32 @!p1 $0x0  }
0x14: {  	s2 =	sld [smem:$0x3F91];
	s0 =	simm.s32 @p1 $0x1  }
0x15: {  	[smem:$0x3FAE] =	sst s0;
	s0 =	simm.s32 @!p2 $0x0  }
0x16: {  	s3 =	sld [smem:$0x3FDB];
	s0 =	simm.s32 @p2 $0x1  }
0x17: {  	s4 =	simm.s32 $0x1BF5;
	[smem:$0x3FB0] =	sst s0  }
0x18: {  	s0 =	sld [smem:$0x3F93];
	_ =	swait.ge [sflag:s4], $0x0  }
0x19: {  	s7 =	sld [smem:$0x3F94]  }
0x1a: {  	s8 =	sadd.s32 $0xFFFFE003, lr  }
0x1b: {  	s9 =	sadd.s32 $0xFFFFFEF7, lr;
	s5 =	simm.s32 $0xFFFFFFFF;
	p2 =	slt.u32 s8, $0xFFFFF086  }
0x1c: {  	p1 =	slt.u32 s9, $0xF7A;
	s5 =	simm.s32 @!p2 $0x0  }
0x1d: {  	s5 =	simm.s32 @p1 $0x1;
	p0 =	seq.s32 s7, s2  }
0x1e: {  	s7 =	smul.u32 @!p0 $0xF7A, s2;
	p2 =	seq.s32 @!p0 s5, $0x0  }
0x1f: {  	s9 =	smul.u32 $0xF7A, s1;
	s8 =	simm.s32 @!p0 $0x1BF5;
	p2 =	por !p2, p0  }
0x20: {  	[sflag:s8] =	ssyncset.s32 @!p0 $0xFFFFF086;
	s6 =	sadd.s32 @!p0 s3, s7;
	s7 =	simm.s32 @!p0 $0x108  }
0x21: {  	s3 =	sadd.s32 s3, s9;
	s6 =	sadd.s32 @!p0 $0x88, s6;
	s7 =	simm.s32 @p2 $0x1082  }
0x22: {  	[simem:s7], [sflag:s8] =	dma.local @!p0 [hbm:s6], $0xF7A  }
0x23: {  	s9 =	sor.u32 $0xD0000000, s2;
	s6 =	simm.s32 $0x108;
	_ =	swait.ge @!p0 [sflag:s8], $0x0  }
0x24: {  	s3 =	sadd.s32 $0x88, s3;
	s6 =	simm.s32 @!p1 $0x1082;
	[sflag:s4] =	ssyncset.s32 $0xFFFFF086  }
0x25: {  	[simem:s6], [sflag:s4] =	dma.local [hbm:s3], $0xF7A  }
0x26: {  	[smem:$0x3F94] =	sst s1;
	(tag) =	ssettag s2;
	_ =	strace s9  }
0x27: {  	s1 =	sld [smem:$0x3FA4]  }
0x28: {  	s2 =	sld [smem:$0x3FA5]  }
0x29: {  	s4 =	sld [smem:$0x3FA7]  }
0x2a: {  	p0 =	seq.s32 s5, $0x0;
	s5 =	sld [smem:$0x3FA8]  }
0x2b: {  	s6 =	sld [smem:$0x3FA9]  }
0x2c: {  	s7 =	sld [smem:$0x3FAA]  }
0x2d: {  	s3 =	simm.s32 $0x108;
	s8 =	sld [smem:$0x3FAB]  }
0x2e: {  	s3 =	simm.s32 @!p0 $0x1082;
	s9 =	sld [smem:$0x3FAC]  }
0x2f: {  	lr =	sadd.s32 s0, s3;
	s0 =	sld [smem:$0x3FA3]  }
0x30: {  	s3 =	sld [smem:$0x3FA6]  }
0x31: {  	[smem:$0x3FAF] =	sst s10  }
0x32: {  	s10 =	sld [smem:$0x3FAD];
	_ =	sdelay $0x3  }
0x33: {  	p0 =	seq.s32 s10, $0x1;
	s10 =	sld [smem:$0x3FAF];
	_ =	sdelay $0x3  }
0x34: {  	[smem:$0x3FAF] =	sst s10  }
0x35: {  	s10 =	sld [smem:$0x3FAE];
	_ =	sdelay $0x3  }
0x36: {  	p1 =	seq.s32 s10, $0x1;
	s10 =	sld [smem:$0x3FAF];
	_ =	sdelay $0x3  }
0x37: {  	[smem:$0x3FAF] =	sst s10  }
0x38: {  	s10 =	sld [smem:$0x3FB0]  }
0x39: {  	_ = 	snop;
	(pc) =	sbr.ind lr, $3  }
0x3a: {  	_ = 	snop  }
0x3b: {  	_ = 	snop  }
0x3c: {  	p2 =	seq.s32 s10, $0x1;
	s10 =	sld [smem:$0x3FAF]  }
0x3d: {  	_ =	shalt  }
0x3e: {  	_ =	shalt  }
0x3f: {  	_ =	shalt  }
0x40: {  	_ =	shalt  }
0x41: {  	_ =	shalt  }
0x42: {  	_ =	shalt  }
0x43: {  	_ =	shalt  }
0x44: {  	_ =	shalt  }
0x45: {  	_ =	shalt  }
0x46: {  	_ =	shalt  }
0x47: {  	_ =	shalt  }
0x48: {  	_ =	shalt  }
0x49: {  	_ =	shalt  }
0x4a: {  	_ =	shalt  }
0x4b: {  	_ =	shalt  }
0x4c: {  	_ =	shalt  }
0x4d: {  	_ =	shalt  }
0x4e: {  	_ =	shalt  }
0x4f: {  	_ =	shalt  }
0x50: {  	_ =	shalt  }
0x51: {  	_ =	shalt  }
0x52: {  	_ =	shalt  }
0x53: {  	_ =	shalt  }
0x54: {  	_ =	shalt  }
0x55: {  	_ =	shalt  }
0x56: {  	_ =	shalt  }
0x57: {  	_ =	shalt  }
0x58: {  	_ =	shalt  }
0x59: {  	_ =	shalt  }
0x5a: {  	_ =	shalt  }
0x5b: {  	_ =	shalt  }
0x5c: {  	_ =	shalt  }
0x5d: {  	_ =	shalt  }
0x5e: {  	_ =	shalt  }
0x5f: {  	_ =	shalt  }
0x60: {  	_ =	shalt  }
0x61: {  	_ =	shalt  }
0x62: {  	_ =	shalt  }
0x63: {  	_ =	shalt  }
0x64: {  	_ =	shalt  }
0x65: {  	_ =	shalt  }
0x66: {  	_ =	shalt  }
0x67: {  	_ =	shalt  }
0x68: {  	_ =	shalt  }
0x69: {  	_ =	shalt  }
0x6a: {  	_ =	shalt  }
0x6b: {  	_ =	shalt  }
0x6c: {  	_ =	shalt  }
0x6d: {  	_ =	shalt  }
0x6e: {  	_ =	shalt  }
0x6f: {  	_ =	shalt  }
0x70: {  	_ =	shalt  }
0x71: {  	_ =	shalt  }
0x72: {  	_ =	shalt  }
0x73: {  	_ =	shalt  }
0x74: {  	_ =	shalt  }
0x75: {  	_ =	shalt  }
0x76: {  	_ =	shalt  }
0x77: {  	_ =	shalt  }
0x78: {  	_ =	shalt  }
0x79: {  	_ =	shalt  }
0x7a: {  	_ =	shalt  }
0x7b: {  	_ =	shalt  }
0x7c: {  	_ =	shalt  }
0x7d: {  	_ =	shalt  }
0x7e: {  	_ =	shalt  }
0x7f: {  	_ =	shalt  }
0x80: {  	_ =	shalt  }
0x81: {  	_ =	shalt  }
0x82: {  	_ =	shalt  }
0x83: {  	_ =	shalt  }
0x84: {  	_ =	shalt  }
0x85: {  	_ =	shalt  }
0x86: {  	_ =	shalt  }
0x87: {  	_ =	shalt  }
.Lfunc_end0:
.L_simem_size_0:
called_computation_lowered:
.L_overlay_start_0:
0x88: {  	s2 =	sld [smem:$0x3FD9]  }
0x89: {  	s3 =	sld [smem:$0x3FFE];
	_ =	sdelay $0x1  }
0x8a: {  	s1 =	srdreg.scid  }
0x8b: {  	s0 =	sand.u32 $0x1, s1  }
0x8c: {  	s16 =	sshll.u32 s0, $0xA;
	s2 =	sadd.s32 s3, s2  }
0x8d: {  	s2 =	sadd.s32 s2, s16  }
0x8e: {  	[smem:$0x3FBB] =	sst s2  }
0x8f: {  	_ = 	snop  }
0x90: {  	(tm) =	ssettm $0x1  }
0x91: {  	s17 =	sld [smem:$0x3FFB];
	_ =	sdelay $0x3  }
0x92: {  	_ =	strace s17  }
0x93: {  	s2 =	sld [smem:$0x3FFC];
	_ =	sdelay $0x3  }
0x94: {  	_ =	strace s2  }
0x95: {  	s2 =	sld [smem:$0x3FFD];
	_ =	sdelay $0x3  }
0x96: {  	_ =	strace s2  }
0x97: {  	_ =	strace $0x8FFFFFFF  }
0x98: {  	s18 =	sld [smem:$0x3FDB];
	_ =	sdelay $0x1  }
0x99: {  	s19 =	simm.s32 $_scs_section_size  }
0x9a: {  	s4 =	simm.s32 $_size__tile_overlayer_lowered;
	s5 =	simm.s32 $_tile_overlayer_lowered  }
0x9b: {  	s22 =	simm.s32 $0x1BFF;
	s21 =	sshll.u32 s5, $0x1;
	s2 =	sadd.s32 s19, s18  }
0x9c: {  	s6 =	simm.s32 $0x0;
	s20 =	sshll.u32 s4, $0x1;
	s4 =	sadd.s32 s21, s2  }
0x9d: {  	[timem:s6], [sflag:s22] =	dma.local [hbm:s4], s20  }
0x9e: {  	_ =	swait.ge [sflag:s22], s20  }
0x9f: {  	s3 =	ssub.s32 $0x0, s20;
	[sflag:s22] =	ssyncset.done $0x0  }
0xa0: {  	[sflag:s22] =	ssyncadd.s32 s3;
	_ =	sdelay $0x1  }
0xa1: {  	s23 =	simm.s32 $0x1B8B  }
0xa2: {  	_ =	swait.ge [sflag:s23], $0x1  }
0xa3: {  	[sflag:s23] =	ssyncset.done $0x0  }
0xa4: {  	s25 =	simm.s32 $0x1B8E;
	s24 =	sld [smem:$0x3FFE];
	[sflag:s23] =	ssyncadd.s32 $0xFFFFFFFF  }
0xa5: {  	s26 =	simm.s32 $execute0_lowered;
	[smem:$0x3FD2] =	sst s25  }
0xa6: {  	s4 =	sshll.u32 s26, $0x1;
	_ =	strace $0x80000046;
	[dreg:$0x1] =	wrdreg $0xFFFFFFFF  }
0xa7: {  	s28 =	simm.s32 $_size_execute0_lowered;
	s2 =	sadd.s32 s2, s4;
	[dreg:$0x0] =	wrdreg $0x0  }
0xa8: {  	s4 =	sshll.u32 s28, $0x1;
	[dreg:$0x2] =	wrdreg s2  }
0xa9: {  	[dreg:$0x3] =	wrdreg s4  }
0xaa: {  	[dreg:$0x4] =	wrdreg $0xC0  }
0xab: {  	_ =	task [dreg:s6], $0x5FFFF  }
0xac: {  	[dreg:$0x1] =	wrdreg $0xFFFFFFFF  }
0xad: {  	[dreg:$0x0] =	wrdreg $0x60  }
0xae: {  	[dreg:$0x2] =	wrdreg s24  }
0xaf: {  	[dreg:$0x3] =	wrdreg $0xA0000  }
0xb0: {  	[dreg:$0x4] =	wrdreg $0x9  }
0xb1: {  	_ =	task.clear_ibuf [dreg:s6], $0x5FFFF;
	_ =	strace $0x90000046  }
0xb2: {  	s29 =	simm.s32 $0x9;
	_ =	strace $0x80000048  }
0xb3: {  	_ =	swait.ge [sflag:s29], $0x1  }
0xb4: {  	[sflag:s29] =	ssyncadd.s32 $0xFFFFFFFF  }
0xb5: {  	_ =	strace $0x90000048  }
0xb6: {  	_ =	sfence  }
0xb7: {  	s30 =	sld [smem:$0x0];
	_ =	sdelay $0x2  }
0xb8: {  	s31 =	sshll.u32 s1, $0xD;
	s1 =	sshrl.u32 s1, $0x2  }
0xb9: {  	s3 =	sand.u32 $0x4000, s31;
	s1 =	sadd.s32 s1, s30  }
0xba: {  	s0 =	sor.u32 s3, s0;
	s1 =	sshll.u32 s1, $0x11  }
0xbb: {  	s0 =	sor.u32 s1, s0  }
0xbc: {  	s0 =	sadd.s32 $0x8F2B, s0  }
0xbd: {  	[sflag:s0] =	ssyncadd.remote.s32 $0x1  }
0xbe: {  	_ =	sfence.sel $0xFFFF  }
0xbf: {  	[dreg:$0x0] =	wrdreg $0xFFFFFFFF;
	(pc) =	sbr.abs _section_cstart, $3  }
0xc0: {  	[dreg:$0x1] =	wrdreg $0xFFFFFFFF  }
0xc1: {  	_ =	task.clear_ibuf [dreg:s6], $0x2FFFF;
	_ =	strace $0x9FFFFFFF  }
0xc2: {  	(tm) =	ssettm $0x7FFFFFFF  }
0xc3: {  	_ =	shalt  }
tec
execute0_lowered:
.L_overlay_start_1:
0x0: {  	(tag) =	ssettag $0x1  }
0x1: {  	s0 =	rddreg [dreg:$0x0]  }
0x2: {  	s2 =	rddreg [dreg:$0x1]  }
0x3: {  	s10 =	stileid.u32;
	s1 =	srdreg.scid  }
0x4: {  	s3 =	simm.s32 $0x0;
	s14 =	simm.s32 $0x80;
	s15 =	simm.s32 $0x2000  }
0x5: {  	s16 =	simm.s32 $0x6000;
	s19 =	simm.s32 $0x3;
	s5 =	smul.u32 $0x2800, s10  }
0x6: {  	s22 =	simm.s32 $0x1;
	s1 =	sand.u32 $0x1, s1;
	s7 =	smul.u32 $0x50000, s10  }
0x7: {  	[smem:$0x7FF] =	sst s3;
	s4 =	sadd.s32 $0x7C600, s0;
	s23 =	smul.u32 $0xA000, s10  }
0x8: {  	s11 =	sadd.s32 $0x54600, s0;
	s26 =	sshll.u32 s10, $0x6;
	s6 =	smul.u32 $0x28000, s1  }
0x9: {  	_ =	strace $0x80000047;
	s9 =	smul.u32 $0xA0000, s1;
	s1 =	ssub.s32 $0x2, s1  }
0xa: {  	s8 =	sadd.s32 s5, s0;
	s24 =	sshrl.u32 s1, $0x1;
	s7 =	sshrl.u32 s7, $0x2  }
0xb: {  	s5 =	sadd.s32 s5, s6;
	s1 =	ssub.s32 s1, s24;
	s12 =	sadd.s32 s7, s2  }
0xc: {  	s9 =	sadd.s32 s23, s9;
	s25 =	sadd.s32 $0xCC600, s8;
	s6 =	sor.u32 $0x1C06, s26  }
0xd: {  	s23 =	simm.s32 $0x4;
	s24 =	simm.s32 $0x2;
	s0 =	sadd.s32 s5, s0  }
.Ltmp0:
0xe: {  	[dreg:$0x3] =	wrdreg s25;
	s28 =	sshrl.u32 s9, $0x3;
	(pc) =	sbr.rel .LBB2_1-.Ltmp0, $4  }
0xf: {  	s29 =	sor.u32 $0x1000, s9;
	s13 =	sor.u32 $0x1200, s9;
	s9 =	smax.u32 s1, $0x1  }
0x10: {  	s12 =	sshrl.u32 s12, $0x3;
	s25 =	simm.s32 $0x0;
	s7 =	sadd.s32 s11, s28  }
0x11: {  	s8 =	sadd.s32 $0xF4600, s0;
	s30 =	sshrl.u32 s29, $0x3;
	s31 =	sshrl.u32 s13, $0x3  }
0x12: {  	s13 =	simm.s32 $0x6;
	s10 =	sadd.s32 s11, s30;
	s0 =	sadd.s32 s31, s11  }
.LBB2_4:
0x13: {  	_ =	swait.ge [sflag:s19], $0x4000  }
0x14: {  	[sflag:s19] =	ssyncset.done $0x0  }
0x15: {  	[sflag:s19] =	ssyncadd.s32 $0xFFFFC000  }
0x16: {  	_ =	swait.ge [sflag:s23], $0x4000  }
0x17: {  	s25 =	sadd.s32 $0x1, s25;
	[sflag:s23] =	ssyncset.done $0x0  }
0x18: {  	p0 =	sne.s32 s25, s9;
	[sflag:s23] =	ssyncadd.s32 $0xFFFFC000  }
.Ltmp1:
0x19: {  	[bflag:$0x0] =	sbarrier.arrive $0xFFFF;
	(pc) =	sbr.rel @!p0 .LBB2_5-.Ltmp1, $4  }
0x1a: {  	[hbm:s8], [sflag:s6] =	dma.local [spmem:s12], $0x2800  }
0x1b: {  	_ =	swait.ge [sflag:s13], $0x2800  }
0x1c: {  	[sflag:s13] =	ssyncset.done $0x0  }
0x1d: {  	[sflag:s13] =	ssyncadd.s32 $0xFFFFD800  }
.LBB2_1:
0x1e: {  	s1 =	rddreg [dreg:$0x3]  }
0x1f: {  	[spmem:s12], [sflag:s6] =	dma.local [hbm:s1], $0x2800  }
0x20: {  	_ =	swait.ge [sflag:s13], $0x2800  }
0x21: {  	[sflag:s13] =	ssyncset.done $0x0  }
0x22: {  	[sflag:s13] =	ssyncadd.s32 $0xFFFFD800  }
0x23: {  	[tilespmem:s3], [sflag:$0x6] =	stream.linear.gather [hbm4b:s7+s3], $0x1000, $0x38;
	[tilespmem:$0x1E000] =	vst v63  }
0x24: {  	_ =	swait.ge [sflag:s13], $0x1000  }
0x25: {  	[sflag:s13] =	ssyncset.done $0x0  }
0x26: {  	[sflag:s13] =	ssyncadd.s32 $0xFFFFF000  }
0x27: {  	[bflag:$0x0] =	sbarrier.arrive $0xFFFF  }
0x28: {  	[tilespmem:s15], [sflag:$0x1] =	stream.indirect.gather [hbm4b:s4+s14], $0x80, s3, s14, $0xb8;
	[tilespmem:$0x1E000] =	vst v63  }
0x29: {  	_ = 	snop  }
0x2a: {  	[tilespmem:s16], [sflag:$0x2] =	stream.indirect.gather [hbm4b:s4+s14], $0x80, s14, s14, $0xb8;
	[tilespmem:$0x1E000] =	vst v63  }
0x2b: {  	_ =	swait.ge [sflag:s22], $0x4000  }
0x2c: {  	[sflag:s22] =	ssyncset.done $0x0  }
0x2d: {  	s18 =	simm.s32 $0x800;
	[sflag:s22] =	ssyncadd.s32 $0xFFFFC000  }
0x2e: {  	[spmem:s2] =	stream.indirect.scatter.add.f32 [tilespmem:s15], [sflag:$0x3], $0x80, s18, s14, $0xb8;
	[tilespmem:$0x1E000] =	vst v63  }
0x2f: {  	_ =	swait.ge [sflag:s24], $0x4000  }
0x30: {  	[sflag:s24] =	ssyncset.done $0x0  }
0x31: {  	s20 =	simm.s32 $0x880;
	[sflag:s24] =	ssyncadd.s32 $0xFFFFC000  }
0x32: {  	[spmem:s2] =	stream.indirect.scatter.add.f32 [tilespmem:s16], [sflag:$0x4], $0x80, s20, s14, $0xb8;
	[tilespmem:$0x1E000] =	vst v63  }
0x33: {  	_ =	swait.ge [sflag:s19], $0x4000  }
0x34: {  	s21 =	simm.s32 $0x100;
	[sflag:s19] =	ssyncset.done $0x0  }
0x35: {  	s26 =	simm.s32 $0x1000;
	s28 =	simm.s32 $0x180;
	[sflag:s19] =	ssyncadd.s32 $0xFFFFC000  }
0x36: {  	[tilespmem:s15], [sflag:$0x1] =	stream.indirect.gather [hbm4b:s4+s14], $0x80, s21, s14, $0xb8;
	[tilespmem:$0x1E000] =	vst v63  }
0x37: {  	s29 =	simm.s32 $0x4;
	s30 =	simm.s32 $0x2;
	s31 =	simm.s32 $0x200  }
0x38: {  	[tilespmem:s26], [sflag:$0x5] =	stream.linear.gather [hbm4b:s10+s3], $0x1000, $0x38;
	[tilespmem:$0x1E000] =	vst v63  }
0x39: {  	s11 =	smov.u32 s0;
	s1 =	simm.s32 $0x1;
	s26 =	simm.s32 $0x200  }
.LBB2_2:
0x3a: {  	s17 =	sand.u32 $0x7, s1;
	p0 =	sgt.u32 s1, $0x47  }
0x3b: {  	p1 =	sne.s32 @!p0 s17, $0x7  }
0x3c: {  	p1 =	por p1, p0  }
0x3d: {  	s18 =	simm.s32 @!p1 $0x5  }
0x3e: {  	_ =	swait.ge @!p1 [sflag:s18], $0x1000  }
0x3f: {  	[sflag:s18] =	ssyncset.done @!p1 $0x0  }
0x40: {  	[sflag:s18] =	ssyncadd.s32 @!p1 $0xFFFFF000  }
0x41: {  	s20 =	sshll.u32 s17, $0x8;
	s18 =	sand.u32 $0x1000, s31;
	_ =	swait.ge [sflag:s22], $0x4000  }
0x42: {  	s20 =	sor.u32 s20, s18;
	[sflag:s22] =	ssyncset.done $0x0  }
0x43: {  	s21 =	sor.u32 $0x800, s20;
	[sflag:s22] =	ssyncadd.s32 $0xFFFFC000  }
0x44: {  	[spmem:s2] =	stream.indirect.scatter.add.f32 [tilespmem:s15], [sflag:$0x3], $0x80, s21, s14, $0xb8;
	[tilespmem:$0x1E000] =	vst v63  }
0x45: {  	s5 =	sshll.u32 s30, $0x9;
	s21 =	sshll.u32 s31, $0x2  }
0x46: {  	s5 =	sand.u32 $0xFFFFE000, s5;
	s21 =	sand.u32 $0x4000, s21  }
0x47: {  	_ =	swait.ge [sflag:s23], $0x4000;
	s5 =	ssub.s32 s21, s5  }
0x48: {  	[sflag:s23] =	ssyncset.done $0x0;
	s5 =	sshra.s32 s5, $0x2  }
0x49: {  	p1 =	seq.s32 s29, $0xA0;
	[sflag:s23] =	ssyncadd.s32 $0xFFFFC000;
	s5 =	sadd.s32 s5, s28  }
0x4a: {  	[tilespmem:s16], [sflag:$0x2] =	stream.indirect.gather [hbm4b:s4+s14], $0x80, s5, s14, $0xb8;
	[tilespmem:$0x1E000] =	vst v63  }
.Ltmp2:
0x4b: {  	_ = 	snop;
	(pc) =	sbr.rel @p1 .LBB2_4-.Ltmp2, $4  }
0x4c: {  	_ =	swait.ge [sflag:s24], $0x4000  }
0x4d: {  	[sflag:s24] =	ssyncset.done $0x0  }
0x4e: {  	s21 =	sor.u32 $0x880, s20;
	[sflag:s24] =	ssyncadd.s32 $0xFFFFC000  }
0x4f: {  	[spmem:s2] =	stream.indirect.scatter.add.f32 [tilespmem:s16], [sflag:$0x4], $0x80, s21, s14, $0xb8;
	[tilespmem:$0x1E000] =	vst v63  }
0x50: {  	s5 =	sshll.u32 s29, $0xA  }
0x51: {  	s20 =	sshll.u32 s29, $0x9;
	_ =	swait.ge [sflag:s19], $0x4000;
	p1 =	sne.s32 @!p0 s17, $0x0  }
0x52: {  	s1 =	sadd.s32 $0x1, s1;
	s5 =	sand.u32 $0x4000, s5;
	s20 =	sand.u32 $0xFFFFE000, s20  }
0x53: {  	s31 =	sadd.s32 $0x200, s31;
	s28 =	sadd.s32 $0x100, s28;
	s5 =	ssub.s32 s5, s20  }
0x54: {  	[sflag:s19] =	ssyncset.done $0x0;
	p0 =	por p1, p0;
	s5 =	sshra.s32 s5, $0x2  }
.Ltmp3:
0x55: {  	[sflag:s19] =	ssyncadd.s32 $0xFFFFC000;
	s5 =	sadd.s32 s5, s26;
	(pc) =	sbr.rel .LBB2_2-.Ltmp3, $4  }
0x56: {  	[tilespmem:s15], [sflag:$0x1] =	stream.indirect.gather [hbm4b:s4+s14], $0x80, s5, s14, $0xb8;
	[tilespmem:$0x1E000] =	vst v63  }
0x57: {  	s30 =	sadd.s32 $0x2, s30;
	s17 =	simm.s32 @!p0 $0x0;
	s5 =	ssub.s32 @!p0 $0x1000, s18  }
0x58: {  	[tilespmem:s5], [sflag:$0x5] =	stream.linear.gather @!p0 [hbm4b:s11+s17], $0x1000, $0x38;
	[tilespmem:$0x1E000] =	vst v63  }
0x59: {  	s29 =	sadd.s32 $0x2, s29;
	s26 =	sadd.s32 $0x100, s26;
	s11 =	sadd.s32 $0x40, s11  }
.LBB2_5:
0x5a: {  	_ =	sfence.sel $0x180000  }
0x5b: {  	[bflag:$0x0] =	sbarrier.arrive $0xFFFF  }
0x5c: {  	_ =	strace $0x90000047  }
0x5d: {  	s0 =	stileid.u32;
	[bflag:$0x2] =	sbarrier.arrive $0xFFFF  }
0x5e: {  	p0 =	sne.s32 s0, $0x0;
	s0 =	rddreg [dreg:$0x2]  }
0x5f: {  	s0 =	sadd.s32 @!p0 $0x100000, s0  }
0x60: {  	[sflag:s0] =	ssyncadd.tile.s32 @!p0 $0x1;
	_ =	shalt  }
.Lfunc_end2:
_tile_overlayer_lowered:
.L_overlay_start_2:
0x61: {  	(tag) =	ssettag $0x2  }
0x62: {  	s0 =	rddreg [dreg:$0x0];
	s2 =	stileid.u32  }
0x63: {  	s1 =	rddreg [dreg:$0x1];
	p0 =	sne.s32 s2, $0x0  }
0x64: {  	s3 =	rddreg [dreg:$0x2];
	[bflag:$0x3] =	sbarrier.arrive $0xFFFF;
	s2 =	simm.s32 @!p0 $0x1C06  }
0x65: {  	[timem:s3], [sflag:s2] =	dma.local @!p0 [hbm:s0], s1  }
0x66: {  	s0 =	simm.s32 @!p0 $0x6  }
0x67: {  	_ =	swait.ge @!p0 [sflag:s0], s1  }
0x68: {  	s1 =	ssub.s32 @!p0 $0x0, s1;
	[sflag:s0] =	ssyncset.done @!p0 $0x0  }
0x69: {  	[sflag:s0] =	ssyncadd.s32 @!p0 s1  }
0x6a: {  	[bflag:$0x3] =	sbarrier.arrive $0xFFFF  }
0x6b: {  	_ =	shalt  }

</sc_bundles>
